<compile_context>
chip_gen: v7x
topology: tpu7x:2x2x1
jax: 0.10.2.dev20260603
libtpu: 0.0.44.dev20260713+nightly
codegen_flags: <defaults>
</compile_context>

<pallas_src>
import functools

import jax
import jax.numpy as jnp
from jax import lax
from jax.experimental import pallas as pl
from jax.experimental.pallas import tpu as pltpu
from jax.experimental.pallas import tpu_sc as plsc

_CH = 128
_NTILES = 32
_NSUB = 16
_NG = 4



def _enc_body(x_ref, we_ref, be_ref, ws_ref, x0_ref, p_ref):
    x0 = jnp.dot(x_ref[...], we_ref[...],
                 preferred_element_type=jnp.float32) + be_ref[...]
    x0_ref[...] = x0
    p_ref[...] = jnp.dot(x0, ws_ref[...], preferred_element_type=jnp.float32)


def _mid_body(h_ref, x0_ref, o_ref, ws_ref, om_ref, beta_ref, h2_ref, p2_ref):
    h = h_ref[...]
    pre = o_ref[...] - h * om_ref[...] - beta_ref[0, 0] * x0_ref[...]
    h2 = h + jnp.maximum(pre, 0.0)
    h2_ref[...] = h2
    p2_ref[...] = jnp.dot(h2, ws_ref[...], preferred_element_type=jnp.float32)


def _dec_body(h_ref, x0_ref, o_ref, om_ref, beta_ref, wd_ref, bd_ref, y_ref):
    h = h_ref[...]
    pre = o_ref[...] - h * om_ref[...] - beta_ref[0, 0] * x0_ref[...]
    h3 = h + jnp.maximum(pre, 0.0)
    y_ref[...] = jnp.dot(h3, wd_ref[...],
                         preferred_element_type=jnp.float32) + bd_ref[...]


def _row_spec(blk, d):
    return pl.BlockSpec((blk, d), lambda i: (i, 0))


def _full_spec(shape):
    ndim = len(shape)
    return pl.BlockSpec(shape, lambda i: (0,) * ndim)



def _sc_aggregate(p_tab, ei_t, zeros_rpt):
    np2, dh = p_tab.shape
    np_ = np2 // 2
    _, _, k, ch = ei_t.shape
    rpt = np_ // _NSUB

    mesh = plsc.VectorSubcoreMesh(core_axis_name="c", subcore_axis_name="s")

    @functools.partial(
        pl.kernel,
        mesh=mesh,
        out_type=jax.ShapeDtypeStruct((np_, 2, dh), jnp.float32),
        compiler_params=pltpu.CompilerParams(use_tc_tiling_on_sc=False),
        scratch_types=[
            pltpu.VMEM((2, k, ch), jnp.int32),
            *[pltpu.VMEM((ch, dh), jnp.float32) for _ in range(_NG)],
            pltpu.VMEM_SHARED((np_, dh), jnp.float32),
            pltpu.SemaphoreType.DMA,
            pltpu.SemaphoreType.DMA,
        ],
    )
    def agg_kernel(p_hbm, ei_hbm, zero_hbm, out_hbm, ei_v, *rest):
        bufs = rest[:_NG]
        agg_sh = rest[_NG]
        gsem, ssem = rest[_NG + 1], rest[_NG + 2]
        c = lax.axis_index("c")
        s = lax.axis_index("s")
        w = c * _NSUB + s
        row0 = s * rpt

        pltpu.sync_copy(zero_hbm, bufs[0])
        for r in range(rpt // ch):
            pltpu.sync_copy(bufs[0], agg_sh.at[pl.ds(row0 + r * ch, ch)])
        pltpu.sync_copy(ei_hbm.at[w], ei_v)
        plsc.subcore_barrier()

        def body(t, carry):
            base = t * _NG
            gts = [
                pltpu.async_copy(p_hbm.at[ei_v.at[0, base + b]], bufs[b],
                                 gsem)
                for b in range(_NG)
            ]
            for gt in gts:
                gt.wait()
            sts = [
                pltpu.async_copy(bufs[b], agg_sh.at[ei_v.at[1, base + b]],
                                 ssem, add=True)
                for b in range(_NG)
            ]
            for st in sts:
                st.wait()
            return carry

        lax.fori_loop(0, k // _NG, body, 0)
        plsc.subcore_barrier()

        pltpu.sync_copy(agg_sh.at[pl.ds(row0, rpt)],
                        out_hbm.at[pl.ds(row0, rpt), c])

    return agg_kernel(p_tab, ei_t, zeros_rpt)



def kernel(x, edge_index, W_enc, b_enc, W_dec, b_dec, W_pair, omega, beta):
    n, d = x.shape
    e = edge_index.shape[1]
    num_layers = 3

    np_ = ((n + 2047) // 2048) * 2048
    rpt = np_ // _NSUB
    blk = np_ // 10
    dh = d // 2
    grp2 = 2 * _NG
    k = -(-e // (_NSUB * _CH * grp2)) * grp2
    k_idx = k

    x_pad = jnp.zeros((np_, d), jnp.float32).at[:n].set(x)
    ws = 0.5 * (W_pair + W_pair.T)
    src = edge_index[0].astype(jnp.int32)
    dst = edge_index[1].astype(jnp.int32)
    npad = _NSUB * k * _CH - e
    pad_src = (jnp.arange(npad, dtype=jnp.int32) * 97) % np_
    pad_dst = n + jnp.arange(npad, dtype=jnp.int32) % (np_ - n)
    srcb = jnp.concatenate([src, pad_src]).reshape(1, _NSUB, 1, k, _CH)
    dstb = jnp.concatenate([dst, pad_dst]).reshape(1, _NSUB, 1, k, _CH)
    src2 = jnp.concatenate([2 * srcb, 2 * srcb + 1])
    dst2 = jnp.concatenate([dstb, dstb])
    ei_t = jnp.concatenate([src2, dst2], axis=2).reshape(_NTILES, 2, k, _CH)
    zeros_chunk = jnp.zeros((_CH, dh), jnp.float32)
    b_enc2 = b_enc.reshape(1, d)
    b_dec2 = b_dec.reshape(1, d)
    om2 = omega.reshape(1, d)
    beta2 = jnp.reshape(beta, (1, 1)).astype(jnp.float32)

    grid = (np_ // blk,)
    row = _row_spec(blk, d)
    o_spec = row

    x0, p = pl.pallas_call(
        _enc_body,
        grid=grid,
        in_specs=[row, _full_spec((d, d)), _full_spec((1, d)),
                  _full_spec((d, d))],
        out_specs=[row, row],
        out_shape=[jax.ShapeDtypeStruct((np_, d), jnp.float32)] * 2,
    )(x_pad, W_enc, b_enc2, ws)

    h = x0
    y = None
    for layer in range(num_layers):
        parts = _sc_aggregate(p.reshape(2 * np_, dh), ei_t, zeros_chunk)
        o2 = parts.reshape(np_, d)
        if layer < num_layers - 1:
            h, p = pl.pallas_call(
                _mid_body,
                grid=grid,
                in_specs=[row, row, o_spec, _full_spec((d, d)),
                          _full_spec((1, d)), _full_spec((1, 1))],
                out_specs=[row, row],
                out_shape=[jax.ShapeDtypeStruct((np_, d), jnp.float32)] * 2,
            )(h, x0, o2, ws, om2, beta2)
        else:
            y = pl.pallas_call(
                _dec_body,
                grid=grid,
                in_specs=[row, row, o_spec, _full_spec((1, d)),
                          _full_spec((1, 1)), _full_spec((d, d)),
                          _full_spec((1, d))],
                out_specs=row,
                out_shape=jax.ShapeDtypeStruct((np_, d), jnp.float32),
            )(h, x0, o2, om2, beta2, W_dec, b_dec2)

    return y[:n]

# --- scband reference (transcript-rebuilt; emitter-appended) ---
"""Pipeline reference for scband-graffnn-44839458570572 (READ-ONLY COPY).

The authoritative reference and input builder live on the scoring server;
editing this copy changes nothing except your own understanding.
"""

import jax, jax.numpy as jnp
import numpy as np

N = 10000
E = 320000
D_IN = 128
D_HID = 128
D_OUT = 128
NUM_LAYERS = 3
STEP_SIZE = 1.0


def setup_inputs(seed: int = 0) -> dict:
    key = jax.random.key(seed)
    ks = [jax.random.fold_in(key, i) for i in range(10)]
    x = jax.random.normal(ks[0], (N, D_IN), dtype=jnp.float32)
    edge_index = jax.random.randint(ks[1], (2, E), 0, N, dtype=jnp.int64)
    # encoder MLP([in, hidden]) -> single Linear
    W_enc = jax.random.normal(ks[2], (D_IN, D_HID), dtype=jnp.float32) / np.sqrt(D_IN)
    b_enc = jnp.zeros((D_HID,), dtype=jnp.float32)
    # decoder MLP([hidden, out]) -> single Linear
    W_dec = jax.random.normal(ks[3], (D_HID, D_OUT), dtype=jnp.float32) / np.sqrt(D_HID)
    b_dec = jnp.zeros((D_OUT,), dtype=jnp.float32)
    # shared GRAFFConv params: symmetric pairwise W, diagonal external omega, source beta
    W_pair = jax.random.normal(ks[4], (D_HID, D_HID), dtype=jnp.float32) / np.sqrt(D_HID)
    omega = jax.random.normal(ks[5], (D_HID,), dtype=jnp.float32) * 0.1
    beta = jnp.asarray(0.1, dtype=jnp.float32)
    return {"x": x, "edge_index": edge_index, "W_enc": W_enc, "b_enc": b_enc,
            "W_dec": W_dec, "b_dec": b_dec, "W_pair": W_pair, "omega": omega, "beta": beta}


def reference(x, edge_index, W_enc, b_enc, W_dec, b_dec, W_pair, omega, beta):
    # encoder
    x0 = x @ W_enc + b_enc
    h = x0
    # symmetric pairwise weight (GRAFF: gradient-flow requires symmetric W)
    Ws = 0.5 * (W_pair + W_pair.T)
    src = edge_index[0]
    dst = edge_index[1]
    for _ in range(NUM_LAYERS):
        # message passing: sum aggregation of neighbor features (scatter-add)
        msg = jnp.take(h, src, axis=0)
        agg = jnp.zeros((N, D_HID), dtype=h.dtype).at[dst].add(msg)
        # GRAFF update: x <- x + tau * act(A x W - x Omega - beta x_0)
        update = jax.nn.relu(agg @ Ws - h * omega - beta * x0)
        h = h + STEP_SIZE * update
    # decoder
    return h @ W_dec + b_dec

if __name__ == "__main__":
    import jax
    _d = setup_inputs()
    print(jax.jit(kernel)(*tuple(_d.values())))

</pallas_src>

<mosaic_0001>
#map = affine_map<(d0, d1) -> (0, 0)>
#map1 = affine_map<(d0, d1) -> (0, 0, 0, 0)>
#map2 = affine_map<(d0, d1) -> (0, 0, 0)>
module attributes {stable_mosaic.version = 14 : i64} {
  func.func @agg_kernel(%arg0: i32, %arg1: i32, %arg2: memref<20480x64xf32, #tpu.memory_space<hbm>>, %arg3: memref<32x2x160x128xi32, #tpu.memory_space<hbm>>, %arg4: memref<128x64xf32, #tpu.memory_space<hbm>>, %arg5: memref<10240x2x64xf32, #tpu.memory_space<hbm>>, %arg6: memref<2x160x128xi32, #tpu.memory_space<vmem>>, %arg7: memref<128x64xf32, #tpu.memory_space<vmem>>, %arg8: memref<128x64xf32, #tpu.memory_space<vmem>>, %arg9: memref<128x64xf32, #tpu.memory_space<vmem>>, %arg10: memref<128x64xf32, #tpu.memory_space<vmem>>, %arg11: memref<10240x64xf32, #tpu.memory_space<vmem_shared>>, %arg12: memref<!tpu.dma_semaphore, #tpu.memory_space<semaphore_mem>>, %arg13: memref<!tpu.dma_semaphore, #tpu.memory_space<semaphore_mem>>) attributes {dimension_semantics = [#tpu.dimension_semantics<core_parallel>, #tpu.dimension_semantics<subcore_parallel>], iteration_bounds = array<i64: 2, 16>, scalar_prefetch = 0 : i64, scratch_operands = 8 : i64, tpu.core_type = #tpu.core_type<sc_vector_subcore>, window_params = [{transform_indices = #map}, {transform_indices = #map1}, {transform_indices = #map}, {transform_indices = #map2}]} {
    %mul3A = arith.constant 16 : i32
    %mul3A_0 = arith.muli %arg0, %mul3A : i32
    %add3A = arith.addi %mul3A_0, %arg1 : i32
    %mul3A_1 = arith.constant 640 : i32
    %mul3A_2 = arith.muli %arg1, %mul3A_1 : i32
    "tpu.region"() ({
      %run_scoped3A = tpu.sem_alloc : memref<!tpu.dma_semaphore, #tpu.memory_space<semaphore_mem>>
      tpu.enqueue_dma source(%arg4 : memref<128x64xf32, #tpu.memory_space<hbm>>) target(%arg7 : memref<128x64xf32, #tpu.memory_space<vmem>>) target_semaphore(%run_scoped3A : memref<!tpu.dma_semaphore, #tpu.memory_space<semaphore_mem>>)
      tpu.wait_dma2 semaphore(%run_scoped3A : memref<!tpu.dma_semaphore, #tpu.memory_space<semaphore_mem>>) src(%arg4 : memref<128x64xf32, #tpu.memory_space<hbm>>) dst(%arg7 : memref<128x64xf32, #tpu.memory_space<vmem>>)
      tpu.yield
    }) : () -> ()
    %add3A_3 = arith.constant 0 : i32
    %add3A_4 = arith.addi %mul3A_2, %add3A_3 : i32
    "tpu.region"() ({
      %run_scoped3A = tpu.sem_alloc : memref<!tpu.dma_semaphore, #tpu.memory_space<semaphore_mem>>
      %dma_start3A = arith.constant 0 : i32
      %dma_start3A_19 = tpu.memref_slice %arg11[%add3A_4, %dma_start3A] : memref<10240x64xf32, #tpu.memory_space<vmem_shared>> -> memref<128x64xf32, #tpu.memory_space<vmem_shared>>
      %dma_start3A_20 = arith.constant 0 : i32
      %dma_start3A_21 = tpu.memref_slice %arg11[%add3A_4, %dma_start3A_20] : memref<10240x64xf32, #tpu.memory_space<vmem_shared>> -> memref<128x64xf32, #tpu.memory_space<vmem_shared>>
      tpu.enqueue_dma source(%arg7 : memref<128x64xf32, #tpu.memory_space<vmem>>) target(%dma_start3A_21 : memref<128x64xf32, #tpu.memory_space<vmem_shared>>) target_semaphore(%run_scoped3A : memref<!tpu.dma_semaphore, #tpu.memory_space<semaphore_mem>>)
      %dma_wait3A = arith.constant 0 : i32
      %dma_wait3A_22 = tpu.memref_slice %arg11[%add3A_4, %dma_wait3A] : memref<10240x64xf32, #tpu.memory_space<vmem_shared>> -> memref<128x64xf32, #tpu.memory_space<vmem_shared>>
      %dma_wait3A_23 = arith.constant 0 : i32
      %dma_wait3A_24 = tpu.memref_slice %arg11[%add3A_4, %dma_wait3A_23] : memref<10240x64xf32, #tpu.memory_space<vmem_shared>> -> memref<128x64xf32, #tpu.memory_space<vmem_shared>>
      tpu.wait_dma2 semaphore(%run_scoped3A : memref<!tpu.dma_semaphore, #tpu.memory_space<semaphore_mem>>) src(%arg7 : memref<128x64xf32, #tpu.memory_space<vmem>>) dst(%dma_wait3A_24 : memref<128x64xf32, #tpu.memory_space<vmem_shared>>)
      tpu.yield
    }) : () -> ()
    %add3A_5 = arith.constant 128 : i32
    %add3A_6 = arith.addi %mul3A_2, %add3A_5 : i32
    "tpu.region"() ({
      %run_scoped3A = tpu.sem_alloc : memref<!tpu.dma_semaphore, #tpu.memory_space<semaphore_mem>>
      %dma_start3A = arith.constant 0 : i32
      %dma_start3A_19 = tpu.memref_slice %arg11[%add3A_6, %dma_start3A] : memref<10240x64xf32, #tpu.memory_space<vmem_shared>> -> memref<128x64xf32, #tpu.memory_space<vmem_shared>>
      %dma_start3A_20 = arith.constant 0 : i32
      %dma_start3A_21 = tpu.memref_slice %arg11[%add3A_6, %dma_start3A_20] : memref<10240x64xf32, #tpu.memory_space<vmem_shared>> -> memref<128x64xf32, #tpu.memory_space<vmem_shared>>
      tpu.enqueue_dma source(%arg7 : memref<128x64xf32, #tpu.memory_space<vmem>>) target(%dma_start3A_21 : memref<128x64xf32, #tpu.memory_space<vmem_shared>>) target_semaphore(%run_scoped3A : memref<!tpu.dma_semaphore, #tpu.memory_space<semaphore_mem>>)
      %dma_wait3A = arith.constant 0 : i32
      %dma_wait3A_22 = tpu.memref_slice %arg11[%add3A_6, %dma_wait3A] : memref<10240x64xf32, #tpu.memory_space<vmem_shared>> -> memref<128x64xf32, #tpu.memory_space<vmem_shared>>
      %dma_wait3A_23 = arith.constant 0 : i32
      %dma_wait3A_24 = tpu.memref_slice %arg11[%add3A_6, %dma_wait3A_23] : memref<10240x64xf32, #tpu.memory_space<vmem_shared>> -> memref<128x64xf32, #tpu.memory_space<vmem_shared>>
      tpu.wait_dma2 semaphore(%run_scoped3A : memref<!tpu.dma_semaphore, #tpu.memory_space<semaphore_mem>>) src(%arg7 : memref<128x64xf32, #tpu.memory_space<vmem>>) dst(%dma_wait3A_24 : memref<128x64xf32, #tpu.memory_space<vmem_shared>>)
      tpu.yield
    }) : () -> ()
    %add3A_7 = arith.constant 256 : i32
    %add3A_8 = arith.addi %mul3A_2, %add3A_7 : i32
    "tpu.region"() ({
      %run_scoped3A = tpu.sem_alloc : memref<!tpu.dma_semaphore, #tpu.memory_space<semaphore_mem>>
      %dma_start3A = arith.constant 0 : i32
      %dma_start3A_19 = tpu.memref_slice %arg11[%add3A_8, %dma_start3A] : memref<10240x64xf32, #tpu.memory_space<vmem_shared>> -> memref<128x64xf32, #tpu.memory_space<vmem_shared>>
      %dma_start3A_20 = arith.constant 0 : i32
      %dma_start3A_21 = tpu.memref_slice %arg11[%add3A_8, %dma_start3A_20] : memref<10240x64xf32, #tpu.memory_space<vmem_shared>> -> memref<128x64xf32, #tpu.memory_space<vmem_shared>>
      tpu.enqueue_dma source(%arg7 : memref<128x64xf32, #tpu.memory_space<vmem>>) target(%dma_start3A_21 : memref<128x64xf32, #tpu.memory_space<vmem_shared>>) target_semaphore(%run_scoped3A : memref<!tpu.dma_semaphore, #tpu.memory_space<semaphore_mem>>)
      %dma_wait3A = arith.constant 0 : i32
      %dma_wait3A_22 = tpu.memref_slice %arg11[%add3A_8, %dma_wait3A] : memref<10240x64xf32, #tpu.memory_space<vmem_shared>> -> memref<128x64xf32, #tpu.memory_space<vmem_shared>>
      %dma_wait3A_23 = arith.constant 0 : i32
      %dma_wait3A_24 = tpu.memref_slice %arg11[%add3A_8, %dma_wait3A_23] : memref<10240x64xf32, #tpu.memory_space<vmem_shared>> -> memref<128x64xf32, #tpu.memory_space<vmem_shared>>
      tpu.wait_dma2 semaphore(%run_scoped3A : memref<!tpu.dma_semaphore, #tpu.memory_space<semaphore_mem>>) src(%arg7 : memref<128x64xf32, #tpu.memory_space<vmem>>) dst(%dma_wait3A_24 : memref<128x64xf32, #tpu.memory_space<vmem_shared>>)
      tpu.yield
    }) : () -> ()
    %add3A_9 = arith.constant 384 : i32
    %add3A_10 = arith.addi %mul3A_2, %add3A_9 : i32
    "tpu.region"() ({
      %run_scoped3A = tpu.sem_alloc : memref<!tpu.dma_semaphore, #tpu.memory_space<semaphore_mem>>
      %dma_start3A = arith.constant 0 : i32
      %dma_start3A_19 = tpu.memref_slice %arg11[%add3A_10, %dma_start3A] : memref<10240x64xf32, #tpu.memory_space<vmem_shared>> -> memref<128x64xf32, #tpu.memory_space<vmem_shared>>
      %dma_start3A_20 = arith.constant 0 : i32
      %dma_start3A_21 = tpu.memref_slice %arg11[%add3A_10, %dma_start3A_20] : memref<10240x64xf32, #tpu.memory_space<vmem_shared>> -> memref<128x64xf32, #tpu.memory_space<vmem_shared>>
      tpu.enqueue_dma source(%arg7 : memref<128x64xf32, #tpu.memory_space<vmem>>) target(%dma_start3A_21 : memref<128x64xf32, #tpu.memory_space<vmem_shared>>) target_semaphore(%run_scoped3A : memref<!tpu.dma_semaphore, #tpu.memory_space<semaphore_mem>>)
      %dma_wait3A = arith.constant 0 : i32
      %dma_wait3A_22 = tpu.memref_slice %arg11[%add3A_10, %dma_wait3A] : memref<10240x64xf32, #tpu.memory_space<vmem_shared>> -> memref<128x64xf32, #tpu.memory_space<vmem_shared>>
      %dma_wait3A_23 = arith.constant 0 : i32
      %dma_wait3A_24 = tpu.memref_slice %arg11[%add3A_10, %dma_wait3A_23] : memref<10240x64xf32, #tpu.memory_space<vmem_shared>> -> memref<128x64xf32, #tpu.memory_space<vmem_shared>>
      tpu.wait_dma2 semaphore(%run_scoped3A : memref<!tpu.dma_semaphore, #tpu.memory_space<semaphore_mem>>) src(%arg7 : memref<128x64xf32, #tpu.memory_space<vmem>>) dst(%dma_wait3A_24 : memref<128x64xf32, #tpu.memory_space<vmem_shared>>)
      tpu.yield
    }) : () -> ()
    %add3A_11 = arith.constant 512 : i32
    %add3A_12 = arith.addi %mul3A_2, %add3A_11 : i32
    "tpu.region"() ({
      %run_scoped3A = tpu.sem_alloc : memref<!tpu.dma_semaphore, #tpu.memory_space<semaphore_mem>>
      %dma_start3A = arith.constant 0 : i32
      %dma_start3A_19 = tpu.memref_slice %arg11[%add3A_12, %dma_start3A] : memref<10240x64xf32, #tpu.memory_space<vmem_shared>> -> memref<128x64xf32, #tpu.memory_space<vmem_shared>>
      %dma_start3A_20 = arith.constant 0 : i32
      %dma_start3A_21 = tpu.memref_slice %arg11[%add3A_12, %dma_start3A_20] : memref<10240x64xf32, #tpu.memory_space<vmem_shared>> -> memref<128x64xf32, #tpu.memory_space<vmem_shared>>
      tpu.enqueue_dma source(%arg7 : memref<128x64xf32, #tpu.memory_space<vmem>>) target(%dma_start3A_21 : memref<128x64xf32, #tpu.memory_space<vmem_shared>>) target_semaphore(%run_scoped3A : memref<!tpu.dma_semaphore, #tpu.memory_space<semaphore_mem>>)
      %dma_wait3A = arith.constant 0 : i32
      %dma_wait3A_22 = tpu.memref_slice %arg11[%add3A_12, %dma_wait3A] : memref<10240x64xf32, #tpu.memory_space<vmem_shared>> -> memref<128x64xf32, #tpu.memory_space<vmem_shared>>
      %dma_wait3A_23 = arith.constant 0 : i32
      %dma_wait3A_24 = tpu.memref_slice %arg11[%add3A_12, %dma_wait3A_23] : memref<10240x64xf32, #tpu.memory_space<vmem_shared>> -> memref<128x64xf32, #tpu.memory_space<vmem_shared>>
      tpu.wait_dma2 semaphore(%run_scoped3A : memref<!tpu.dma_semaphore, #tpu.memory_space<semaphore_mem>>) src(%arg7 : memref<128x64xf32, #tpu.memory_space<vmem>>) dst(%dma_wait3A_24 : memref<128x64xf32, #tpu.memory_space<vmem_shared>>)
      tpu.yield
    }) : () -> ()
    "tpu.region"() ({
      %run_scoped3A = tpu.sem_alloc : memref<!tpu.dma_semaphore, #tpu.memory_space<semaphore_mem>>
      %dma_start3A = arith.constant 0 : i32
      %dma_start3A_19 = arith.constant 0 : i32
      %dma_start3A_20 = arith.constant 0 : i32
      %dma_start3A_21 = tpu.memref_slice %arg3[%add3A, %dma_start3A, %dma_start3A_19, %dma_start3A_20] : memref<32x2x160x128xi32, #tpu.memory_space<hbm>> -> memref<1x2x160x128xi32, #tpu.memory_space<hbm>>
      %dma_start3A_22 = tpu.memref_squeeze %dma_start3A_21 : memref<1x2x160x128xi32, #tpu.memory_space<hbm>> -> memref<2x160x128xi32, #tpu.memory_space<hbm>>
      %dma_start3A_23 = arith.constant 0 : i32
      %dma_start3A_24 = arith.constant 0 : i32
      %dma_start3A_25 = arith.constant 0 : i32
      %dma_start3A_26 = tpu.memref_slice %arg3[%add3A, %dma_start3A_23, %dma_start3A_24, %dma_start3A_25] : memref<32x2x160x128xi32, #tpu.memory_space<hbm>> -> memref<1x2x160x128xi32, #tpu.memory_space<hbm>>
      %dma_start3A_27 = tpu.memref_squeeze %dma_start3A_26 : memref<1x2x160x128xi32, #tpu.memory_space<hbm>> -> memref<2x160x128xi32, #tpu.memory_space<hbm>>
      tpu.enqueue_dma source(%dma_start3A_27 : memref<2x160x128xi32, #tpu.memory_space<hbm>>) target(%arg6 : memref<2x160x128xi32, #tpu.memory_space<vmem>>) target_semaphore(%run_scoped3A : memref<!tpu.dma_semaphore, #tpu.memory_space<semaphore_mem>>)
      %dma_wait3A = arith.constant 0 : i32
      %dma_wait3A_28 = arith.constant 0 : i32
      %dma_wait3A_29 = arith.constant 0 : i32
      %dma_wait3A_30 = tpu.memref_slice %arg3[%add3A, %dma_wait3A, %dma_wait3A_28, %dma_wait3A_29] : memref<32x2x160x128xi32, #tpu.memory_space<hbm>> -> memref<1x2x160x128xi32, #tpu.memory_space<hbm>>
      %dma_wait3A_31 = tpu.memref_squeeze %dma_wait3A_30 : memref<1x2x160x128xi32, #tpu.memory_space<hbm>> -> memref<2x160x128xi32, #tpu.memory_space<hbm>>
      %dma_wait3A_32 = arith.constant 0 : i32
      %dma_wait3A_33 = arith.constant 0 : i32
      %dma_wait3A_34 = arith.constant 0 : i32
      %dma_wait3A_35 = tpu.memref_slice %arg3[%add3A, %dma_wait3A_32, %dma_wait3A_33, %dma_wait3A_34] : memref<32x2x160x128xi32, #tpu.memory_space<hbm>> -> memref<1x2x160x128xi32, #tpu.memory_space<hbm>>
      %dma_wait3A_36 = tpu.memref_squeeze %dma_wait3A_35 : memref<1x2x160x128xi32, #tpu.memory_space<hbm>> -> memref<2x160x128xi32, #tpu.memory_space<hbm>>
      tpu.wait_dma2 semaphore(%run_scoped3A : memref<!tpu.dma_semaphore, #tpu.memory_space<semaphore_mem>>) src(%dma_wait3A_36 : memref<2x160x128xi32, #tpu.memory_space<hbm>>) dst(%arg6 : memref<2x160x128xi32, #tpu.memory_space<vmem>>)
      tpu.yield
    }) : () -> ()
    %barrier3A = arith.constant 0 : index
    tpu.barrier barrier_id(%barrier3A)
    %scan3A = arith.constant 0 : i32
    %scan3A_13 = arith.constant 0 : i32
    %scan3A_14 = arith.constant 40 : i32
    %scan3A_15 = arith.addi %scan3A_13, %scan3A_14 : i32
    %scan3A_16 = arith.constant 1 : i32
    scf.for %scan3A_19 = %scan3A_13 to %scan3A_15 step %scan3A_16  : i32 {
      %mul3A_20 = arith.constant 4 : i32
      %mul3A_21 = arith.muli %scan3A_19, %mul3A_20 : i32
      %add3A_22 = arith.constant 0 : i32
      %add3A_23 = arith.addi %mul3A_21, %add3A_22 : i32
      %dma_start3A = arith.constant 0 : i32
      %dma_start3A_24 = arith.constant 0 : i32
      %dma_start3A_25 = tpu.memref_slice %arg6[%dma_start3A, %add3A_23, %dma_start3A_24] : memref<2x160x128xi32, #tpu.memory_space<vmem>> -> memref<1x1x128xi32, #tpu.memory_space<vmem>>
      %dma_start3A_26 = tpu.memref_squeeze %dma_start3A_25 : memref<1x1x128xi32, #tpu.memory_space<vmem>> -> memref<128xi32, #tpu.memory_space<vmem>>
      %dma_start3A_27 = arith.constant 0 : i32
      %dma_start3A_28 = arith.constant 0 : i32
      %dma_start3A_29 = tpu.memref_slice %arg2[%dma_start3A_27, %dma_start3A_28] : memref<20480x64xf32, #tpu.memory_space<hbm>> -> memref<20480x64xf32, #tpu.memory_space<hbm>>
      tpu.enqueue_indirect_dma source(%dma_start3A_29 : memref<20480x64xf32, #tpu.memory_space<hbm>>) target(%arg7 : memref<128x64xf32, #tpu.memory_space<vmem>>) offsets(%dma_start3A_26 : memref<128xi32, #tpu.memory_space<vmem>>) semaphore(%arg12 : memref<!tpu.dma_semaphore, #tpu.memory_space<semaphore_mem>>)
      %add3A_30 = arith.constant 1 : i32
      %add3A_31 = arith.addi %mul3A_21, %add3A_30 : i32
      %dma_start3A_32 = arith.constant 0 : i32
      %dma_start3A_33 = arith.constant 0 : i32
      %dma_start3A_34 = tpu.memref_slice %arg6[%dma_start3A_32, %add3A_31, %dma_start3A_33] : memref<2x160x128xi32, #tpu.memory_space<vmem>> -> memref<1x1x128xi32, #tpu.memory_space<vmem>>
      %dma_start3A_35 = tpu.memref_squeeze %dma_start3A_34 : memref<1x1x128xi32, #tpu.memory_space<vmem>> -> memref<128xi32, #tpu.memory_space<vmem>>
      %dma_start3A_36 = arith.constant 0 : i32
      %dma_start3A_37 = arith.constant 0 : i32
      %dma_start3A_38 = tpu.memref_slice %arg2[%dma_start3A_36, %dma_start3A_37] : memref<20480x64xf32, #tpu.memory_space<hbm>> -> memref<20480x64xf32, #tpu.memory_space<hbm>>
      tpu.enqueue_indirect_dma source(%dma_start3A_38 : memref<20480x64xf32, #tpu.memory_space<hbm>>) target(%arg8 : memref<128x64xf32, #tpu.memory_space<vmem>>) offsets(%dma_start3A_35 : memref<128xi32, #tpu.memory_space<vmem>>) semaphore(%arg12 : memref<!tpu.dma_semaphore, #tpu.memory_space<semaphore_mem>>)
      %add3A_39 = arith.constant 2 : i32
      %add3A_40 = arith.addi %mul3A_21, %add3A_39 : i32
      %dma_start3A_41 = arith.constant 0 : i32
      %dma_start3A_42 = arith.constant 0 : i32
      %dma_start3A_43 = tpu.memref_slice %arg6[%dma_start3A_41, %add3A_40, %dma_start3A_42] : memref<2x160x128xi32, #tpu.memory_space<vmem>> -> memref<1x1x128xi32, #tpu.memory_space<vmem>>
      %dma_start3A_44 = tpu.memref_squeeze %dma_start3A_43 : memref<1x1x128xi32, #tpu.memory_space<vmem>> -> memref<128xi32, #tpu.memory_space<vmem>>
      %dma_start3A_45 = arith.constant 0 : i32
      %dma_start3A_46 = arith.constant 0 : i32
      %dma_start3A_47 = tpu.memref_slice %arg2[%dma_start3A_45, %dma_start3A_46] : memref<20480x64xf32, #tpu.memory_space<hbm>> -> memref<20480x64xf32, #tpu.memory_space<hbm>>
      tpu.enqueue_indirect_dma source(%dma_start3A_47 : memref<20480x64xf32, #tpu.memory_space<hbm>>) target(%arg9 : memref<128x64xf32, #tpu.memory_space<vmem>>) offsets(%dma_start3A_44 : memref<128xi32, #tpu.memory_space<vmem>>) semaphore(%arg12 : memref<!tpu.dma_semaphore, #tpu.memory_space<semaphore_mem>>)
      %add3A_48 = arith.constant 3 : i32
      %add3A_49 = arith.addi %mul3A_21, %add3A_48 : i32
      %dma_start3A_50 = arith.constant 0 : i32
      %dma_start3A_51 = arith.constant 0 : i32
      %dma_start3A_52 = tpu.memref_slice %arg6[%dma_start3A_50, %add3A_49, %dma_start3A_51] : memref<2x160x128xi32, #tpu.memory_space<vmem>> -> memref<1x1x128xi32, #tpu.memory_space<vmem>>
      %dma_start3A_53 = tpu.memref_squeeze %dma_start3A_52 : memref<1x1x128xi32, #tpu.memory_space<vmem>> -> memref<128xi32, #tpu.memory_space<vmem>>
      %dma_start3A_54 = arith.constant 0 : i32
      %dma_start3A_55 = arith.constant 0 : i32
      %dma_start3A_56 = tpu.memref_slice %arg2[%dma_start3A_54, %dma_start3A_55] : memref<20480x64xf32, #tpu.memory_space<hbm>> -> memref<20480x64xf32, #tpu.memory_space<hbm>>
      tpu.enqueue_indirect_dma source(%dma_start3A_56 : memref<20480x64xf32, #tpu.memory_space<hbm>>) target(%arg10 : memref<128x64xf32, #tpu.memory_space<vmem>>) offsets(%dma_start3A_53 : memref<128xi32, #tpu.memory_space<vmem>>) semaphore(%arg12 : memref<!tpu.dma_semaphore, #tpu.memory_space<semaphore_mem>>)
      %dma_wait3A = arith.constant 0 : i32
      %dma_wait3A_57 = arith.constant 0 : i32
      %dma_wait3A_58 = tpu.memref_slice %arg6[%dma_wait3A, %add3A_23, %dma_wait3A_57] : memref<2x160x128xi32, #tpu.memory_space<vmem>> -> memref<1x1x128xi32, #tpu.memory_space<vmem>>
      %dma_wait3A_59 = tpu.memref_squeeze %dma_wait3A_58 : memref<1x1x128xi32, #tpu.memory_space<vmem>> -> memref<128xi32, #tpu.memory_space<vmem>>
      %dma_wait3A_60 = arith.constant 0 : i32
      %dma_wait3A_61 = arith.constant 0 : i32
      %dma_wait3A_62 = tpu.memref_slice %arg2[%dma_wait3A_60, %dma_wait3A_61] : memref<20480x64xf32, #tpu.memory_space<hbm>> -> memref<20480x64xf32, #tpu.memory_space<hbm>>
      tpu.wait_indirect_dma semaphore(%arg12 : memref<!tpu.dma_semaphore, #tpu.memory_space<semaphore_mem>>) src(%dma_wait3A_62 : memref<20480x64xf32, #tpu.memory_space<hbm>>) dst(%arg7 : memref<128x64xf32, #tpu.memory_space<vmem>>)
      %dma_wait3A_63 = arith.constant 0 : i32
      %dma_wait3A_64 = arith.constant 0 : i32
      %dma_wait3A_65 = tpu.memref_slice %arg6[%dma_wait3A_63, %add3A_31, %dma_wait3A_64] : memref<2x160x128xi32, #tpu.memory_space<vmem>> -> memref<1x1x128xi32, #tpu.memory_space<vmem>>
      %dma_wait3A_66 = tpu.memref_squeeze %dma_wait3A_65 : memref<1x1x128xi32, #tpu.memory_space<vmem>> -> memref<128xi32, #tpu.memory_space<vmem>>
      %dma_wait3A_67 = arith.constant 0 : i32
      %dma_wait3A_68 = arith.constant 0 : i32
      %dma_wait3A_69 = tpu.memref_slice %arg2[%dma_wait3A_67, %dma_wait3A_68] : memref<20480x64xf32, #tpu.memory_space<hbm>> -> memref<20480x64xf32, #tpu.memory_space<hbm>>
      tpu.wait_indirect_dma semaphore(%arg12 : memref<!tpu.dma_semaphore, #tpu.memory_space<semaphore_mem>>) src(%dma_wait3A_69 : memref<20480x64xf32, #tpu.memory_space<hbm>>) dst(%arg8 : memref<128x64xf32, #tpu.memory_space<vmem>>)
      %dma_wait3A_70 = arith.constant 0 : i32
      %dma_wait3A_71 = arith.constant 0 : i32
      %dma_wait3A_72 = tpu.memref_slice %arg6[%dma_wait3A_70, %add3A_40, %dma_wait3A_71] : memref<2x160x128xi32, #tpu.memory_space<vmem>> -> memref<1x1x128xi32, #tpu.memory_space<vmem>>
      %dma_wait3A_73 = tpu.memref_squeeze %dma_wait3A_72 : memref<1x1x128xi32, #tpu.memory_space<vmem>> -> memref<128xi32, #tpu.memory_space<vmem>>
      %dma_wait3A_74 = arith.constant 0 : i32
      %dma_wait3A_75 = arith.constant 0 : i32
      %dma_wait3A_76 = tpu.memref_slice %arg2[%dma_wait3A_74, %dma_wait3A_75] : memref<20480x64xf32, #tpu.memory_space<hbm>> -> memref<20480x64xf32, #tpu.memory_space<hbm>>
      tpu.wait_indirect_dma semaphore(%arg12 : memref<!tpu.dma_semaphore, #tpu.memory_space<semaphore_mem>>) src(%dma_wait3A_76 : memref<20480x64xf32, #tpu.memory_space<hbm>>) dst(%arg9 : memref<128x64xf32, #tpu.memory_space<vmem>>)
      %dma_wait3A_77 = arith.constant 0 : i32
      %dma_wait3A_78 = arith.constant 0 : i32
      %dma_wait3A_79 = tpu.memref_slice %arg6[%dma_wait3A_77, %add3A_49, %dma_wait3A_78] : memref<2x160x128xi32, #tpu.memory_space<vmem>> -> memref<1x1x128xi32, #tpu.memory_space<vmem>>
      %dma_wait3A_80 = tpu.memref_squeeze %dma_wait3A_79 : memref<1x1x128xi32, #tpu.memory_space<vmem>> -> memref<128xi32, #tpu.memory_space<vmem>>
      %dma_wait3A_81 = arith.constant 0 : i32
      %dma_wait3A_82 = arith.constant 0 : i32
      %dma_wait3A_83 = tpu.memref_slice %arg2[%dma_wait3A_81, %dma_wait3A_82] : memref<20480x64xf32, #tpu.memory_space<hbm>> -> memref<20480x64xf32, #tpu.memory_space<hbm>>
      tpu.wait_indirect_dma semaphore(%arg12 : memref<!tpu.dma_semaphore, #tpu.memory_space<semaphore_mem>>) src(%dma_wait3A_83 : memref<20480x64xf32, #tpu.memory_space<hbm>>) dst(%arg10 : memref<128x64xf32, #tpu.memory_space<vmem>>)
      %add3A_84 = arith.constant 0 : i32
      %add3A_85 = arith.addi %mul3A_21, %add3A_84 : i32
      %dma_start3A_86 = arith.constant 1 : i32
      %dma_start3A_87 = arith.constant 0 : i32
      %dma_start3A_88 = tpu.memref_slice %arg6[%dma_start3A_86, %add3A_85, %dma_start3A_87] : memref<2x160x128xi32, #tpu.memory_space<vmem>> -> memref<1x1x128xi32, #tpu.memory_space<vmem>>
      %dma_start3A_89 = tpu.memref_squeeze %dma_start3A_88 : memref<1x1x128xi32, #tpu.memory_space<vmem>> -> memref<128xi32, #tpu.memory_space<vmem>>
      %dma_start3A_90 = arith.constant 0 : i32
      %dma_start3A_91 = arith.constant 0 : i32
      %dma_start3A_92 = tpu.memref_slice %arg11[%dma_start3A_90, %dma_start3A_91] : memref<10240x64xf32, #tpu.memory_space<vmem_shared>> -> memref<10240x64xf32, #tpu.memory_space<vmem_shared>>
      tpu.enqueue_indirect_dma source(%arg7 : memref<128x64xf32, #tpu.memory_space<vmem>>) target(%dma_start3A_92 : memref<10240x64xf32, #tpu.memory_space<vmem_shared>>) offsets(%dma_start3A_89 : memref<128xi32, #tpu.memory_space<vmem>>) semaphore(%arg13 : memref<!tpu.dma_semaphore, #tpu.memory_space<semaphore_mem>>) {add = true}
      %add3A_93 = arith.constant 1 : i32
      %add3A_94 = arith.addi %mul3A_21, %add3A_93 : i32
      %dma_start3A_95 = arith.constant 1 : i32
      %dma_start3A_96 = arith.constant 0 : i32
      %dma_start3A_97 = tpu.memref_slice %arg6[%dma_start3A_95, %add3A_94, %dma_start3A_96] : memref<2x160x128xi32, #tpu.memory_space<vmem>> -> memref<1x1x128xi32, #tpu.memory_space<vmem>>
      %dma_start3A_98 = tpu.memref_squeeze %dma_start3A_97 : memref<1x1x128xi32, #tpu.memory_space<vmem>> -> memref<128xi32, #tpu.memory_space<vmem>>
      %dma_start3A_99 = arith.constant 0 : i32
      %dma_start3A_100 = arith.constant 0 : i32
      %dma_start3A_101 = tpu.memref_slice %arg11[%dma_start3A_99, %dma_start3A_100] : memref<10240x64xf32, #tpu.memory_space<vmem_shared>> -> memref<10240x64xf32, #tpu.memory_space<vmem_shared>>
      tpu.enqueue_indirect_dma source(%arg8 : memref<128x64xf32, #tpu.memory_space<vmem>>) target(%dma_start3A_101 : memref<10240x64xf32, #tpu.memory_space<vmem_shared>>) offsets(%dma_start3A_98 : memref<128xi32, #tpu.memory_space<vmem>>) semaphore(%arg13 : memref<!tpu.dma_semaphore, #tpu.memory_space<semaphore_mem>>) {add = true}
      %add3A_102 = arith.constant 2 : i32
      %add3A_103 = arith.addi %mul3A_21, %add3A_102 : i32
      %dma_start3A_104 = arith.constant 1 : i32
      %dma_start3A_105 = arith.constant 0 : i32
      %dma_start3A_106 = tpu.memref_slice %arg6[%dma_start3A_104, %add3A_103, %dma_start3A_105] : memref<2x160x128xi32, #tpu.memory_space<vmem>> -> memref<1x1x128xi32, #tpu.memory_space<vmem>>
      %dma_start3A_107 = tpu.memref_squeeze %dma_start3A_106 : memref<1x1x128xi32, #tpu.memory_space<vmem>> -> memref<128xi32, #tpu.memory_space<vmem>>
      %dma_start3A_108 = arith.constant 0 : i32
      %dma_start3A_109 = arith.constant 0 : i32
      %dma_start3A_110 = tpu.memref_slice %arg11[%dma_start3A_108, %dma_start3A_109] : memref<10240x64xf32, #tpu.memory_space<vmem_shared>> -> memref<10240x64xf32, #tpu.memory_space<vmem_shared>>
      tpu.enqueue_indirect_dma source(%arg9 : memref<128x64xf32, #tpu.memory_space<vmem>>) target(%dma_start3A_110 : memref<10240x64xf32, #tpu.memory_space<vmem_shared>>) offsets(%dma_start3A_107 : memref<128xi32, #tpu.memory_space<vmem>>) semaphore(%arg13 : memref<!tpu.dma_semaphore, #tpu.memory_space<semaphore_mem>>) {add = true}
      %add3A_111 = arith.constant 3 : i32
      %add3A_112 = arith.addi %mul3A_21, %add3A_111 : i32
      %dma_start3A_113 = arith.constant 1 : i32
      %dma_start3A_114 = arith.constant 0 : i32
      %dma_start3A_115 = tpu.memref_slice %arg6[%dma_start3A_113, %add3A_112, %dma_start3A_114] : memref<2x160x128xi32, #tpu.memory_space<vmem>> -> memref<1x1x128xi32, #tpu.memory_space<vmem>>
      %dma_start3A_116 = tpu.memref_squeeze %dma_start3A_115 : memref<1x1x128xi32, #tpu.memory_space<vmem>> -> memref<128xi32, #tpu.memory_space<vmem>>
      %dma_start3A_117 = arith.constant 0 : i32
      %dma_start3A_118 = arith.constant 0 : i32
      %dma_start3A_119 = tpu.memref_slice %arg11[%dma_start3A_117, %dma_start3A_118] : memref<10240x64xf32, #tpu.memory_space<vmem_shared>> -> memref<10240x64xf32, #tpu.memory_space<vmem_shared>>
      tpu.enqueue_indirect_dma source(%arg10 : memref<128x64xf32, #tpu.memory_space<vmem>>) target(%dma_start3A_119 : memref<10240x64xf32, #tpu.memory_space<vmem_shared>>) offsets(%dma_start3A_116 : memref<128xi32, #tpu.memory_space<vmem>>) semaphore(%arg13 : memref<!tpu.dma_semaphore, #tpu.memory_space<semaphore_mem>>) {add = true}
      %dma_wait3A_120 = arith.constant 1 : i32
      %dma_wait3A_121 = arith.constant 0 : i32
      %dma_wait3A_122 = tpu.memref_slice %arg6[%dma_wait3A_120, %add3A_85, %dma_wait3A_121] : memref<2x160x128xi32, #tpu.memory_space<vmem>> -> memref<1x1x128xi32, #tpu.memory_space<vmem>>
      %dma_wait3A_123 = tpu.memref_squeeze %dma_wait3A_122 : memref<1x1x128xi32, #tpu.memory_space<vmem>> -> memref<128xi32, #tpu.memory_space<vmem>>
      %dma_wait3A_124 = arith.constant 0 : i32
      %dma_wait3A_125 = arith.constant 0 : i32
      %dma_wait3A_126 = tpu.memref_slice %arg11[%dma_wait3A_124, %dma_wait3A_125] : memref<10240x64xf32, #tpu.memory_space<vmem_shared>> -> memref<10240x64xf32, #tpu.memory_space<vmem_shared>>
      tpu.wait_indirect_dma semaphore(%arg13 : memref<!tpu.dma_semaphore, #tpu.memory_space<semaphore_mem>>) src(%arg7 : memref<128x64xf32, #tpu.memory_space<vmem>>) dst(%dma_wait3A_126 : memref<10240x64xf32, #tpu.memory_space<vmem_shared>>)
      %dma_wait3A_127 = arith.constant 1 : i32
      %dma_wait3A_128 = arith.constant 0 : i32
      %dma_wait3A_129 = tpu.memref_slice %arg6[%dma_wait3A_127, %add3A_94, %dma_wait3A_128] : memref<2x160x128xi32, #tpu.memory_space<vmem>> -> memref<1x1x128xi32, #tpu.memory_space<vmem>>
      %dma_wait3A_130 = tpu.memref_squeeze %dma_wait3A_129 : memref<1x1x128xi32, #tpu.memory_space<vmem>> -> memref<128xi32, #tpu.memory_space<vmem>>
      %dma_wait3A_131 = arith.constant 0 : i32
      %dma_wait3A_132 = arith.constant 0 : i32
      %dma_wait3A_133 = tpu.memref_slice %arg11[%dma_wait3A_131, %dma_wait3A_132] : memref<10240x64xf32, #tpu.memory_space<vmem_shared>> -> memref<10240x64xf32, #tpu.memory_space<vmem_shared>>
      tpu.wait_indirect_dma semaphore(%arg13 : memref<!tpu.dma_semaphore, #tpu.memory_space<semaphore_mem>>) src(%arg8 : memref<128x64xf32, #tpu.memory_space<vmem>>) dst(%dma_wait3A_133 : memref<10240x64xf32, #tpu.memory_space<vmem_shared>>)
      %dma_wait3A_134 = arith.constant 1 : i32
      %dma_wait3A_135 = arith.constant 0 : i32
      %dma_wait3A_136 = tpu.memref_slice %arg6[%dma_wait3A_134, %add3A_103, %dma_wait3A_135] : memref<2x160x128xi32, #tpu.memory_space<vmem>> -> memref<1x1x128xi32, #tpu.memory_space<vmem>>
      %dma_wait3A_137 = tpu.memref_squeeze %dma_wait3A_136 : memref<1x1x128xi32, #tpu.memory_space<vmem>> -> memref<128xi32, #tpu.memory_space<vmem>>
      %dma_wait3A_138 = arith.constant 0 : i32
      %dma_wait3A_139 = arith.constant 0 : i32
      %dma_wait3A_140 = tpu.memref_slice %arg11[%dma_wait3A_138, %dma_wait3A_139] : memref<10240x64xf32, #tpu.memory_space<vmem_shared>> -> memref<10240x64xf32, #tpu.memory_space<vmem_shared>>
      tpu.wait_indirect_dma semaphore(%arg13 : memref<!tpu.dma_semaphore, #tpu.memory_space<semaphore_mem>>) src(%arg9 : memref<128x64xf32, #tpu.memory_space<vmem>>) dst(%dma_wait3A_140 : memref<10240x64xf32, #tpu.memory_space<vmem_shared>>)
      %dma_wait3A_141 = arith.constant 1 : i32
      %dma_wait3A_142 = arith.constant 0 : i32
      %dma_wait3A_143 = tpu.memref_slice %arg6[%dma_wait3A_141, %add3A_112, %dma_wait3A_142] : memref<2x160x128xi32, #tpu.memory_space<vmem>> -> memref<1x1x128xi32, #tpu.memory_space<vmem>>
      %dma_wait3A_144 = tpu.memref_squeeze %dma_wait3A_143 : memref<1x1x128xi32, #tpu.memory_space<vmem>> -> memref<128xi32, #tpu.memory_space<vmem>>
      %dma_wait3A_145 = arith.constant 0 : i32
      %dma_wait3A_146 = arith.constant 0 : i32
      %dma_wait3A_147 = tpu.memref_slice %arg11[%dma_wait3A_145, %dma_wait3A_146] : memref<10240x64xf32, #tpu.memory_space<vmem_shared>> -> memref<10240x64xf32, #tpu.memory_space<vmem_shared>>
      tpu.wait_indirect_dma semaphore(%arg13 : memref<!tpu.dma_semaphore, #tpu.memory_space<semaphore_mem>>) src(%arg10 : memref<128x64xf32, #tpu.memory_space<vmem>>) dst(%dma_wait3A_147 : memref<10240x64xf32, #tpu.memory_space<vmem_shared>>)
    }
    %scan3A_17 = arith.constant 40 : i32
    %barrier3A_18 = arith.constant 0 : index
    tpu.barrier barrier_id(%barrier3A_18)
    "tpu.region"() ({
      %run_scoped3A = tpu.sem_alloc : memref<!tpu.dma_semaphore, #tpu.memory_space<semaphore_mem>>
      %dma_start3A = arith.constant 0 : i32
      %dma_start3A_19 = tpu.memref_slice %arg5[%mul3A_2, %arg0, %dma_start3A] : memref<10240x2x64xf32, #tpu.memory_space<hbm>> -> memref<640x1x64xf32, #tpu.memory_space<hbm>>
      %dma_start3A_20 = tpu.memref_squeeze %dma_start3A_19 : memref<640x1x64xf32, #tpu.memory_space<hbm>> -> memref<640x64xf32, #tpu.memory_space<hbm>>
      %dma_start3A_21 = arith.constant 0 : i32
      %dma_start3A_22 = tpu.memref_slice %arg11[%mul3A_2, %dma_start3A_21] : memref<10240x64xf32, #tpu.memory_space<vmem_shared>> -> memref<640x64xf32, #tpu.memory_space<vmem_shared>>
      tpu.enqueue_dma source(%dma_start3A_22 : memref<640x64xf32, #tpu.memory_space<vmem_shared>>) target(%dma_start3A_20 : memref<640x64xf32, #tpu.memory_space<hbm>>) target_semaphore(%run_scoped3A : memref<!tpu.dma_semaphore, #tpu.memory_space<semaphore_mem>>)
      %dma_wait3A = arith.constant 0 : i32
      %dma_wait3A_23 = tpu.memref_slice %arg5[%mul3A_2, %arg0, %dma_wait3A] : memref<10240x2x64xf32, #tpu.memory_space<hbm>> -> memref<640x1x64xf32, #tpu.memory_space<hbm>>
      %dma_wait3A_24 = tpu.memref_squeeze %dma_wait3A_23 : memref<640x1x64xf32, #tpu.memory_space<hbm>> -> memref<640x64xf32, #tpu.memory_space<hbm>>
      %dma_wait3A_25 = arith.constant 0 : i32
      %dma_wait3A_26 = tpu.memref_slice %arg11[%mul3A_2, %dma_wait3A_25] : memref<10240x64xf32, #tpu.memory_space<vmem_shared>> -> memref<640x64xf32, #tpu.memory_space<vmem_shared>>
      tpu.wait_dma2 semaphore(%run_scoped3A : memref<!tpu.dma_semaphore, #tpu.memory_space<semaphore_mem>>) src(%dma_wait3A_26 : memref<640x64xf32, #tpu.memory_space<vmem_shared>>) dst(%dma_wait3A_24 : memref<640x64xf32, #tpu.memory_space<hbm>>)
      tpu.yield
    }) : () -> ()
    return
  }
}

#map = affine_map<(d0, d1) -> (0, 0)>
#map1 = affine_map<(d0, d1) -> (0, 0, 0, 0)>
#map2 = affine_map<(d0, d1) -> (0, 0, 0)>
module attributes {stable_mosaic.version = 14 : i64} {
  func.func @agg_kernel(%arg0: i32, %arg1: i32, %arg2: memref<20480x64xf32, #tpu.memory_space<hbm>>, %arg3: memref<32x2x160x128xi32, #tpu.memory_space<hbm>>, %arg4: memref<128x64xf32, #tpu.memory_space<hbm>>, %arg5: memref<10240x2x64xf32, #tpu.memory_space<hbm>>, %arg6: memref<2x160x128xi32, #tpu.memory_space<vmem>>, %arg7: memref<128x64xf32, #tpu.memory_space<vmem>>, %arg8: memref<128x64xf32, #tpu.memory_space<vmem>>, %arg9: memref<128x64xf32, #tpu.memory_space<vmem>>, %arg10: memref<128x64xf32, #tpu.memory_space<vmem>>, %arg11: memref<10240x64xf32, #tpu.memory_space<vmem_shared>>, %arg12: memref<!tpu.dma_semaphore, #tpu.memory_space<semaphore_mem>>, %arg13: memref<!tpu.dma_semaphore, #tpu.memory_space<semaphore_mem>>) attributes {dimension_semantics = [#tpu.dimension_semantics<core_parallel>, #tpu.dimension_semantics<subcore_parallel>], iteration_bounds = array<i64: 2, 16>, scalar_prefetch = 0 : i64, scratch_operands = 8 : i64, tpu.core_type = #tpu.core_type<sc_vector_subcore>, window_params = [{transform_indices = #map}, {transform_indices = #map1}, {transform_indices = #map}, {transform_indices = #map2}]} {
    %mul3A = arith.constant 16 : i32
    %mul3A_0 = arith.muli %arg0, %mul3A : i32
    %add3A = arith.addi %mul3A_0, %arg1 : i32
    %mul3A_1 = arith.constant 640 : i32
    %mul3A_2 = arith.muli %arg1, %mul3A_1 : i32
    "tpu.region"() ({
      %run_scoped3A = tpu.sem_alloc : memref<!tpu.dma_semaphore, #tpu.memory_space<semaphore_mem>>
      tpu.enqueue_dma source(%arg4 : memref<128x64xf32, #tpu.memory_space<hbm>>) target(%arg7 : memref<128x64xf32, #tpu.memory_space<vmem>>) target_semaphore(%run_scoped3A : memref<!tpu.dma_semaphore, #tpu.memory_space<semaphore_mem>>)
      tpu.wait_dma2 semaphore(%run_scoped3A : memref<!tpu.dma_semaphore, #tpu.memory_space<semaphore_mem>>) src(%arg4 : memref<128x64xf32, #tpu.memory_space<hbm>>) dst(%arg7 : memref<128x64xf32, #tpu.memory_space<vmem>>)
      tpu.yield
    }) : () -> ()
    %add3A_3 = arith.constant 0 : i32
    %add3A_4 = arith.addi %mul3A_2, %add3A_3 : i32
    "tpu.region"() ({
      %run_scoped3A = tpu.sem_alloc : memref<!tpu.dma_semaphore, #tpu.memory_space<semaphore_mem>>
      %dma_start3A = arith.constant 0 : i32
      %dma_start3A_19 = tpu.memref_slice %arg11[%add3A_4, %dma_start3A] : memref<10240x64xf32, #tpu.memory_space<vmem_shared>> -> memref<128x64xf32, #tpu.memory_space<vmem_shared>>
      %dma_start3A_20 = arith.constant 0 : i32
      %dma_start3A_21 = tpu.memref_slice %arg11[%add3A_4, %dma_start3A_20] : memref<10240x64xf32, #tpu.memory_space<vmem_shared>> -> memref<128x64xf32, #tpu.memory_space<vmem_shared>>
      tpu.enqueue_dma source(%arg7 : memref<128x64xf32, #tpu.memory_space<vmem>>) target(%dma_start3A_21 : memref<128x64xf32, #tpu.memory_space<vmem_shared>>) target_semaphore(%run_scoped3A : memref<!tpu.dma_semaphore, #tpu.memory_space<semaphore_mem>>)
      %dma_wait3A = arith.constant 0 : i32
      %dma_wait3A_22 = tpu.memref_slice %arg11[%add3A_4, %dma_wait3A] : memref<10240x64xf32, #tpu.memory_space<vmem_shared>> -> memref<128x64xf32, #tpu.memory_space<vmem_shared>>
      %dma_wait3A_23 = arith.constant 0 : i32
      %dma_wait3A_24 = tpu.memref_slice %arg11[%add3A_4, %dma_wait3A_23] : memref<10240x64xf32, #tpu.memory_space<vmem_shared>> -> memref<128x64xf32, #tpu.memory_space<vmem_shared>>
      tpu.wait_dma2 semaphore(%run_scoped3A : memref<!tpu.dma_semaphore, #tpu.memory_space<semaphore_mem>>) src(%arg7 : memref<128x64xf32, #tpu.memory_space<vmem>>) dst(%dma_wait3A_24 : memref<128x64xf32, #tpu.memory_space<vmem_shared>>)
      tpu.yield
    }) : () -> ()
    %add3A_5 = arith.constant 128 : i32
    %add3A_6 = arith.addi %mul3A_2, %add3A_5 : i32
    "tpu.region"() ({
      %run_scoped3A = tpu.sem_alloc : memref<!tpu.dma_semaphore, #tpu.memory_space<semaphore_mem>>
      %dma_start3A = arith.constant 0 : i32
      %dma_start3A_19 = tpu.memref_slice %arg11[%add3A_6, %dma_start3A] : memref<10240x64xf32, #tpu.memory_space<vmem_shared>> -> memref<128x64xf32, #tpu.memory_space<vmem_shared>>
      %dma_start3A_20 = arith.constant 0 : i32
      %dma_start3A_21 = tpu.memref_slice %arg11[%add3A_6, %dma_start3A_20] : memref<10240x64xf32, #tpu.memory_space<vmem_shared>> -> memref<128x64xf32, #tpu.memory_space<vmem_shared>>
      tpu.enqueue_dma source(%arg7 : memref<128x64xf32, #tpu.memory_space<vmem>>) target(%dma_start3A_21 : memref<128x64xf32, #tpu.memory_space<vmem_shared>>) target_semaphore(%run_scoped3A : memref<!tpu.dma_semaphore, #tpu.memory_space<semaphore_mem>>)
      %dma_wait3A = arith.constant 0 : i32
      %dma_wait3A_22 = tpu.memref_slice %arg11[%add3A_6, %dma_wait3A] : memref<10240x64xf32, #tpu.memory_space<vmem_shared>> -> memref<128x64xf32, #tpu.memory_space<vmem_shared>>
      %dma_wait3A_23 = arith.constant 0 : i32
      %dma_wait3A_24 = tpu.memref_slice %arg11[%add3A_6, %dma_wait3A_23] : memref<10240x64xf32, #tpu.memory_space<vmem_shared>> -> memref<128x64xf32, #tpu.memory_space<vmem_shared>>
      tpu.wait_dma2 semaphore(%run_scoped3A : memref<!tpu.dma_semaphore, #tpu.memory_space<semaphore_mem>>) src(%arg7 : memref<128x64xf32, #tpu.memory_space<vmem>>) dst(%dma_wait3A_24 : memref<128x64xf32, #tpu.memory_space<vmem_shared>>)
      tpu.yield
    }) : () -> ()
    %add3A_7 = arith.constant 256 : i32
    %add3A_8 = arith.addi %mul3A_2, %add3A_7 : i32
    "tpu.region"() ({
      %run_scoped3A = tpu.sem_alloc : memref<!tpu.dma_semaphore, #tpu.memory_space<semaphore_mem>>
      %dma_start3A = arith.constant 0 : i32
      %dma_start3A_19 = tpu.memref_slice %arg11[%add3A_8, %dma_start3A] : memref<10240x64xf32, #tpu.memory_space<vmem_shared>> -> memref<128x64xf32, #tpu.memory_space<vmem_shared>>
      %dma_start3A_20 = arith.constant 0 : i32
      %dma_start3A_21 = tpu.memref_slice %arg11[%add3A_8, %dma_start3A_20] : memref<10240x64xf32, #tpu.memory_space<vmem_shared>> -> memref<128x64xf32, #tpu.memory_space<vmem_shared>>
      tpu.enqueue_dma source(%arg7 : memref<128x64xf32, #tpu.memory_space<vmem>>) target(%dma_start3A_21 : memref<128x64xf32, #tpu.memory_space<vmem_shared>>) target_semaphore(%run_scoped3A : memref<!tpu.dma_semaphore, #tpu.memory_space<semaphore_mem>>)
      %dma_wait3A = arith.constant 0 : i32
      %dma_wait3A_22 = tpu.memref_slice %arg11[%add3A_8, %dma_wait3A] : memref<10240x64xf32, #tpu.memory_space<vmem_shared>> -> memref<128x64xf32, #tpu.memory_space<vmem_shared>>
      %dma_wait3A_23 = arith.constant 0 : i32
      %dma_wait3A_24 = tpu.memref_slice %arg11[%add3A_8, %dma_wait3A_23] : memref<10240x64xf32, #tpu.memory_space<vmem_shared>> -> memref<128x64xf32, #tpu.memory_space<vmem_shared>>
      tpu.wait_dma2 semaphore(%run_scoped3A : memref<!tpu.dma_semaphore, #tpu.memory_space<semaphore_mem>>) src(%arg7 : memref<128x64xf32, #tpu.memory_space<vmem>>) dst(%dma_wait3A_24 : memref<128x64xf32, #tpu.memory_space<vmem_shared>>)
      tpu.yield
    }) : () -> ()
    %add3A_9 = arith.constant 384 : i32
    %add3A_10 = arith.addi %mul3A_2, %add3A_9 : i32
    "tpu.region"() ({
      %run_scoped3A = tpu.sem_alloc : memref<!tpu.dma_semaphore, #tpu.memory_space<semaphore_mem>>
      %dma_start3A = arith.constant 0 : i32
      %dma_start3A_19 = tpu.memref_slice %arg11[%add3A_10, %dma_start3A] : memref<10240x64xf32, #tpu.memory_space<vmem_shared>> -> memref<128x64xf32, #tpu.memory_space<vmem_shared>>
      %dma_start3A_20 = arith.constant 0 : i32
      %dma_start3A_21 = tpu.memref_slice %arg11[%add3A_10, %dma_start3A_20] : memref<10240x64xf32, #tpu.memory_space<vmem_shared>> -> memref<128x64xf32, #tpu.memory_space<vmem_shared>>
      tpu.enqueue_dma source(%arg7 : memref<128x64xf32, #tpu.memory_space<vmem>>) target(%dma_start3A_21 : memref<128x64xf32, #tpu.memory_space<vmem_shared>>) target_semaphore(%run_scoped3A : memref<!tpu.dma_semaphore, #tpu.memory_space<semaphore_mem>>)
      %dma_wait3A = arith.constant 0 : i32
      %dma_wait3A_22 = tpu.memref_slice %arg11[%add3A_10, %dma_wait3A] : memref<10240x64xf32, #tpu.memory_space<vmem_shared>> -> memref<128x64xf32, #tpu.memory_space<vmem_shared>>
      %dma_wait3A_23 = arith.constant 0 : i32
      %dma_wait3A_24 = tpu.memref_slice %arg11[%add3A_10, %dma_wait3A_23] : memref<10240x64xf32, #tpu.memory_space<vmem_shared>> -> memref<128x64xf32, #tpu.memory_space<vmem_shared>>
      tpu.wait_dma2 semaphore(%run_scoped3A : memref<!tpu.dma_semaphore, #tpu.memory_space<semaphore_mem>>) src(%arg7 : memref<128x64xf32, #tpu.memory_space<vmem>>) dst(%dma_wait3A_24 : memref<128x64xf32, #tpu.memory_space<vmem_shared>>)
      tpu.yield
    }) : () -> ()
    %add3A_11 = arith.constant 512 : i32
    %add3A_12 = arith.addi %mul3A_2, %add3A_11 : i32
    "tpu.region"() ({
      %run_scoped3A = tpu.sem_alloc : memref<!tpu.dma_semaphore, #tpu.memory_space<semaphore_mem>>
      %dma_start3A = arith.constant 0 : i32
      %dma_start3A_19 = tpu.memref_slice %arg11[%add3A_12, %dma_start3A] : memref<10240x64xf32, #tpu.memory_space<vmem_shared>> -> memref<128x64xf32, #tpu.memory_space<vmem_shared>>
      %dma_start3A_20 = arith.constant 0 : i32
      %dma_start3A_21 = tpu.memref_slice %arg11[%add3A_12, %dma_start3A_20] : memref<10240x64xf32, #tpu.memory_space<vmem_shared>> -> memref<128x64xf32, #tpu.memory_space<vmem_shared>>
      tpu.enqueue_dma source(%arg7 : memref<128x64xf32, #tpu.memory_space<vmem>>) target(%dma_start3A_21 : memref<128x64xf32, #tpu.memory_space<vmem_shared>>) target_semaphore(%run_scoped3A : memref<!tpu.dma_semaphore, #tpu.memory_space<semaphore_mem>>)
      %dma_wait3A = arith.constant 0 : i32
      %dma_wait3A_22 = tpu.memref_slice %arg11[%add3A_12, %dma_wait3A] : memref<10240x64xf32, #tpu.memory_space<vmem_shared>> -> memref<128x64xf32, #tpu.memory_space<vmem_shared>>
      %dma_wait3A_23 = arith.constant 0 : i32
      %dma_wait3A_24 = tpu.memref_slice %arg11[%add3A_12, %dma_wait3A_23] : memref<10240x64xf32, #tpu.memory_space<vmem_shared>> -> memref<128x64xf32, #tpu.memory_space<vmem_shared>>
      tpu.wait_dma2 semaphore(%run_scoped3A : memref<!tpu.dma_semaphore, #tpu.memory_space<semaphore_mem>>) src(%arg7 : memref<128x64xf32, #tpu.memory_space<vmem>>) dst(%dma_wait3A_24 : memref<128x64xf32, #tpu.memory_space<vmem_shared>>)
      tpu.yield
    }) : () -> ()
    "tpu.region"() ({
      %run_scoped3A = tpu.sem_alloc : memref<!tpu.dma_semaphore, #tpu.memory_space<semaphore_mem>>
      %dma_start3A = arith.constant 0 : i32
      %dma_start3A_19 = arith.constant 0 : i32
      %dma_start3A_20 = arith.constant 0 : i32
      %dma_start3A_21 = tpu.memref_slice %arg3[%add3A, %dma_start3A, %dma_start3A_19, %dma_start3A_20] : memref<32x2x160x128xi32, #tpu.memory_space<hbm>> -> memref<1x2x160x128xi32, #tpu.memory_space<hbm>>
      %dma_start3A_22 = tpu.memref_squeeze %dma_start3A_21 : memref<1x2x160x128xi32, #tpu.memory_space<hbm>> -> memref<2x160x128xi32, #tpu.memory_space<hbm>>
      %dma_start3A_23 = arith.constant 0 : i32
      %dma_start3A_24 = arith.constant 0 : i32
      %dma_start3A_25 = arith.constant 0 : i32
      %dma_start3A_26 = tpu.memref_slice %arg3[%add3A, %dma_start3A_23, %dma_start3A_24, %dma_start3A_25] : memref<32x2x160x128xi32, #tpu.memory_space<hbm>> -> memref<1x2x160x128xi32, #tpu.memory_space<hbm>>
      %dma_start3A_27 = tpu.memref_squeeze %dma_start3A_26 : memref<1x2x160x128xi32, #tpu.memory_space<hbm>> -> memref<2x160x128xi32, #tpu.memory_space<hbm>>
      tpu.enqueue_dma source(%dma_start3A_27 : memref<2x160x128xi32, #tpu.memory_space<hbm>>) target(%arg6 : memref<2x160x128xi32, #tpu.memory_space<vmem>>) target_semaphore(%run_scoped3A : memref<!tpu.dma_semaphore, #tpu.memory_space<semaphore_mem>>)
      %dma_wait3A = arith.constant 0 : i32
      %dma_wait3A_28 = arith.constant 0 : i32
      %dma_wait3A_29 = arith.constant 0 : i32
      %dma_wait3A_30 = tpu.memref_slice %arg3[%add3A, %dma_wait3A, %dma_wait3A_28, %dma_wait3A_29] : memref<32x2x160x128xi32, #tpu.memory_space<hbm>> -> memref<1x2x160x128xi32, #tpu.memory_space<hbm>>
      %dma_wait3A_31 = tpu.memref_squeeze %dma_wait3A_30 : memref<1x2x160x128xi32, #tpu.memory_space<hbm>> -> memref<2x160x128xi32, #tpu.memory_space<hbm>>
      %dma_wait3A_32 = arith.constant 0 : i32
      %dma_wait3A_33 = arith.constant 0 : i32
      %dma_wait3A_34 = arith.constant 0 : i32
      %dma_wait3A_35 = tpu.memref_slice %arg3[%add3A, %dma_wait3A_32, %dma_wait3A_33, %dma_wait3A_34] : memref<32x2x160x128xi32, #tpu.memory_space<hbm>> -> memref<1x2x160x128xi32, #tpu.memory_space<hbm>>
      %dma_wait3A_36 = tpu.memref_squeeze %dma_wait3A_35 : memref<1x2x160x128xi32, #tpu.memory_space<hbm>> -> memref<2x160x128xi32, #tpu.memory_space<hbm>>
      tpu.wait_dma2 semaphore(%run_scoped3A : memref<!tpu.dma_semaphore, #tpu.memory_space<semaphore_mem>>) src(%dma_wait3A_36 : memref<2x160x128xi32, #tpu.memory_space<hbm>>) dst(%arg6 : memref<2x160x128xi32, #tpu.memory_space<vmem>>)
      tpu.yield
    }) : () -> ()
    %barrier3A = arith.constant 0 : index
    tpu.barrier barrier_id(%barrier3A)
    %scan3A = arith.constant 0 : i32
    %scan3A_13 = arith.constant 0 : i32
    %scan3A_14 = arith.constant 40 : i32
    %scan3A_15 = arith.addi %scan3A_13, %scan3A_14 : i32
    %scan3A_16 = arith.constant 1 : i32
    scf.for %scan3A_19 = %scan3A_13 to %scan3A_15 step %scan3A_16  : i32 {
      %mul3A_20 = arith.constant 4 : i32
      %mul3A_21 = arith.muli %scan3A_19, %mul3A_20 : i32
      %add3A_22 = arith.constant 0 : i32
      %add3A_23 = arith.addi %mul3A_21, %add3A_22 : i32
      %dma_start3A = arith.constant 0 : i32
      %dma_start3A_24 = arith.constant 0 : i32
      %dma_start3A_25 = tpu.memref_slice %arg6[%dma_start3A, %add3A_23, %dma_start3A_24] : memref<2x160x128xi32, #tpu.memory_space<vmem>> -> memref<1x1x128xi32, #tpu.memory_space<vmem>>
      %dma_start3A_26 = tpu.memref_squeeze %dma_start3A_25 : memref<1x1x128xi32, #tpu.memory_space<vmem>> -> memref<128xi32, #tpu.memory_space<vmem>>
      %dma_start3A_27 = arith.constant 0 : i32
      %dma_start3A_28 = arith.constant 0 : i32
      %dma_start3A_29 = tpu.memref_slice %arg2[%dma_start3A_27, %dma_start3A_28] : memref<20480x64xf32, #tpu.memory_space<hbm>> -> memref<20480x64xf32, #tpu.memory_space<hbm>>
      tpu.enqueue_indirect_dma source(%dma_start3A_29 : memref<20480x64xf32, #tpu.memory_space<hbm>>) target(%arg7 : memref<128x64xf32, #tpu.memory_space<vmem>>) offsets(%dma_start3A_26 : memref<128xi32, #tpu.memory_space<vmem>>) semaphore(%arg12 : memref<!tpu.dma_semaphore, #tpu.memory_space<semaphore_mem>>)
      %add3A_30 = arith.constant 1 : i32
      %add3A_31 = arith.addi %mul3A_21, %add3A_30 : i32
      %dma_start3A_32 = arith.constant 0 : i32
      %dma_start3A_33 = arith.constant 0 : i32
      %dma_start3A_34 = tpu.memref_slice %arg6[%dma_start3A_32, %add3A_31, %dma_start3A_33] : memref<2x160x128xi32, #tpu.memory_space<vmem>> -> memref<1x1x128xi32, #tpu.memory_space<vmem>>
      %dma_start3A_35 = tpu.memref_squeeze %dma_start3A_34 : memref<1x1x128xi32, #tpu.memory_space<vmem>> -> memref<128xi32, #tpu.memory_space<vmem>>
      %dma_start3A_36 = arith.constant 0 : i32
      %dma_start3A_37 = arith.constant 0 : i32
      %dma_start3A_38 = tpu.memref_slice %arg2[%dma_start3A_36, %dma_start3A_37] : memref<20480x64xf32, #tpu.memory_space<hbm>> -> memref<20480x64xf32, #tpu.memory_space<hbm>>
      tpu.enqueue_indirect_dma source(%dma_start3A_38 : memref<20480x64xf32, #tpu.memory_space<hbm>>) target(%arg8 : memref<128x64xf32, #tpu.memory_space<vmem>>) offsets(%dma_start3A_35 : memref<128xi32, #tpu.memory_space<vmem>>) semaphore(%arg12 : memref<!tpu.dma_semaphore, #tpu.memory_space<semaphore_mem>>)
      %add3A_39 = arith.constant 2 : i32
      %add3A_40 = arith.addi %mul3A_21, %add3A_39 : i32
      %dma_start3A_41 = arith.constant 0 : i32
      %dma_start3A_42 = arith.constant 0 : i32
      %dma_start3A_43 = tpu.memref_slice %arg6[%dma_start3A_41, %add3A_40, %dma_start3A_42] : memref<2x160x128xi32, #tpu.memory_space<vmem>> -> memref<1x1x128xi32, #tpu.memory_space<vmem>>
      %dma_start3A_44 = tpu.memref_squeeze %dma_start3A_43 : memref<1x1x128xi32, #tpu.memory_space<vmem>> -> memref<128xi32, #tpu.memory_space<vmem>>
      %dma_start3A_45 = arith.constant 0 : i32
      %dma_start3A_46 = arith.constant 0 : i32
      %dma_start3A_47 = tpu.memref_slice %arg2[%dma_start3A_45, %dma_start3A_46] : memref<20480x64xf32, #tpu.memory_space<hbm>> -> memref<20480x64xf32, #tpu.memory_space<hbm>>
      tpu.enqueue_indirect_dma source(%dma_start3A_47 : memref<20480x64xf32, #tpu.memory_space<hbm>>) target(%arg9 : memref<128x64xf32, #tpu.memory_space<vmem>>) offsets(%dma_start3A_44 : memref<128xi32, #tpu.memory_space<vmem>>) semaphore(%arg12 : memref<!tpu.dma_semaphore, #tpu.memory_space<semaphore_mem>>)
      %add3A_48 = arith.constant 3 : i32
      %add3A_49 = arith.addi %mul3A_21, %add3A_48 : i32
      %dma_start3A_50 = arith.constant 0 : i32
      %dma_start3A_51 = arith.constant 0 : i32
      %dma_start3A_52 = tpu.memref_slice %arg6[%dma_start3A_50, %add3A_49, %dma_start3A_51] : memref<2x160x128xi32, #tpu.memory_space<vmem>> -> memref<1x1x128xi32, #tpu.memory_space<vmem>>
      %dma_start3A_53 = tpu.memref_squeeze %dma_start3A_52 : memref<1x1x128xi32, #tpu.memory_space<vmem>> -> memref<128xi32, #tpu.memory_space<vmem>>
      %dma_start3A_54 = arith.constant 0 : i32
      %dma_start3A_55 = arith.constant 0 : i32
      %dma_start3A_56 = tpu.memref_slice %arg2[%dma_start3A_54, %dma_start3A_55] : memref<20480x64xf32, #tpu.memory_space<hbm>> -> memref<20480x64xf32, #tpu.memory_space<hbm>>
      tpu.enqueue_indirect_dma source(%dma_start3A_56 : memref<20480x64xf32, #tpu.memory_space<hbm>>) target(%arg10 : memref<128x64xf32, #tpu.memory_space<vmem>>) offsets(%dma_start3A_53 : memref<128xi32, #tpu.memory_space<vmem>>) semaphore(%arg12 : memref<!tpu.dma_semaphore, #tpu.memory_space<semaphore_mem>>)
      %dma_wait3A = arith.constant 0 : i32
      %dma_wait3A_57 = arith.constant 0 : i32
      %dma_wait3A_58 = tpu.memref_slice %arg6[%dma_wait3A, %add3A_23, %dma_wait3A_57] : memref<2x160x128xi32, #tpu.memory_space<vmem>> -> memref<1x1x128xi32, #tpu.memory_space<vmem>>
      %dma_wait3A_59 = tpu.memref_squeeze %dma_wait3A_58 : memref<1x1x128xi32, #tpu.memory_space<vmem>> -> memref<128xi32, #tpu.memory_space<vmem>>
      %dma_wait3A_60 = arith.constant 0 : i32
      %dma_wait3A_61 = arith.constant 0 : i32
      %dma_wait3A_62 = tpu.memref_slice %arg2[%dma_wait3A_60, %dma_wait3A_61] : memref<20480x64xf32, #tpu.memory_space<hbm>> -> memref<20480x64xf32, #tpu.memory_space<hbm>>
      tpu.wait_indirect_dma semaphore(%arg12 : memref<!tpu.dma_semaphore, #tpu.memory_space<semaphore_mem>>) src(%dma_wait3A_62 : memref<20480x64xf32, #tpu.memory_space<hbm>>) dst(%arg7 : memref<128x64xf32, #tpu.memory_space<vmem>>)
      %dma_wait3A_63 = arith.constant 0 : i32
      %dma_wait3A_64 = arith.constant 0 : i32
      %dma_wait3A_65 = tpu.memref_slice %arg6[%dma_wait3A_63, %add3A_31, %dma_wait3A_64] : memref<2x160x128xi32, #tpu.memory_space<vmem>> -> memref<1x1x128xi32, #tpu.memory_space<vmem>>
      %dma_wait3A_66 = tpu.memref_squeeze %dma_wait3A_65 : memref<1x1x128xi32, #tpu.memory_space<vmem>> -> memref<128xi32, #tpu.memory_space<vmem>>
      %dma_wait3A_67 = arith.constant 0 : i32
      %dma_wait3A_68 = arith.constant 0 : i32
      %dma_wait3A_69 = tpu.memref_slice %arg2[%dma_wait3A_67, %dma_wait3A_68] : memref<20480x64xf32, #tpu.memory_space<hbm>> -> memref<20480x64xf32, #tpu.memory_space<hbm>>
      tpu.wait_indirect_dma semaphore(%arg12 : memref<!tpu.dma_semaphore, #tpu.memory_space<semaphore_mem>>) src(%dma_wait3A_69 : memref<20480x64xf32, #tpu.memory_space<hbm>>) dst(%arg8 : memref<128x64xf32, #tpu.memory_space<vmem>>)
      %dma_wait3A_70 = arith.constant 0 : i32
      %dma_wait3A_71 = arith.constant 0 : i32
      %dma_wait3A_72 = tpu.memref_slice %arg6[%dma_wait3A_70, %add3A_40, %dma_wait3A_71] : memref<2x160x128xi32, #tpu.memory_space<vmem>> -> memref<1x1x128xi32, #tpu.memory_space<vmem>>
      %dma_wait3A_73 = tpu.memref_squeeze %dma_wait3A_72 : memref<1x1x128xi32, #tpu.memory_space<vmem>> -> memref<128xi32, #tpu.memory_space<vmem>>
      %dma_wait3A_74 = arith.constant 0 : i32
      %dma_wait3A_75 = arith.constant 0 : i32
      %dma_wait3A_76 = tpu.memref_slice %arg2[%dma_wait3A_74, %dma_wait3A_75] : memref<20480x64xf32, #tpu.memory_space<hbm>> -> memref<20480x64xf32, #tpu.memory_space<hbm>>
      tpu.wait_indirect_dma semaphore(%arg12 : memref<!tpu.dma_semaphore, #tpu.memory_space<semaphore_mem>>) src(%dma_wait3A_76 : memref<20480x64xf32, #tpu.memory_space<hbm>>) dst(%arg9 : memref<128x64xf32, #tpu.memory_space<vmem>>)
      %dma_wait3A_77 = arith.constant 0 : i32
      %dma_wait3A_78 = arith.constant 0 : i32
      %dma_wait3A_79 = tpu.memref_slice %arg6[%dma_wait3A_77, %add3A_49, %dma_wait3A_78] : memref<2x160x128xi32, #tpu.memory_space<vmem>> -> memref<1x1x128xi32, #tpu.memory_space<vmem>>
      %dma_wait3A_80 = tpu.memref_squeeze %dma_wait3A_79 : memref<1x1x128xi32, #tpu.memory_space<vmem>> -> memref<128xi32, #tpu.memory_space<vmem>>
      %dma_wait3A_81 = arith.constant 0 : i32
      %dma_wait3A_82 = arith.constant 0 : i32
      %dma_wait3A_83 = tpu.memref_slice %arg2[%dma_wait3A_81, %dma_wait3A_82] : memref<20480x64xf32, #tpu.memory_space<hbm>> -> memref<20480x64xf32, #tpu.memory_space<hbm>>
      tpu.wait_indirect_dma semaphore(%arg12 : memref<!tpu.dma_semaphore, #tpu.memory_space<semaphore_mem>>) src(%dma_wait3A_83 : memref<20480x64xf32, #tpu.memory_space<hbm>>) dst(%arg10 : memref<128x64xf32, #tpu.memory_space<vmem>>)
      %add3A_84 = arith.constant 0 : i32
      %add3A_85 = arith.addi %mul3A_21, %add3A_84 : i32
      %dma_start3A_86 = arith.constant 1 : i32
      %dma_start3A_87 = arith.constant 0 : i32
      %dma_start3A_88 = tpu.memref_slice %arg6[%dma_start3A_86, %add3A_85, %dma_start3A_87] : memref<2x160x128xi32, #tpu.memory_space<vmem>> -> memref<1x1x128xi32, #tpu.memory_space<vmem>>
      %dma_start3A_89 = tpu.memref_squeeze %dma_start3A_88 : memref<1x1x128xi32, #tpu.memory_space<vmem>> -> memref<128xi32, #tpu.memory_space<vmem>>
      %dma_start3A_90 = arith.constant 0 : i32
      %dma_start3A_91 = arith.constant 0 : i32
      %dma_start3A_92 = tpu.memref_slice %arg11[%dma_start3A_90, %dma_start3A_91] : memref<10240x64xf32, #tpu.memory_space<vmem_shared>> -> memref<10240x64xf32, #tpu.memory_space<vmem_shared>>
      tpu.enqueue_indirect_dma source(%arg7 : memref<128x64xf32, #tpu.memory_space<vmem>>) target(%dma_start3A_92 : memref<10240x64xf32, #tpu.memory_space<vmem_shared>>) offsets(%dma_start3A_89 : memref<128xi32, #tpu.memory_space<vmem>>) semaphore(%arg13 : memref<!tpu.dma_semaphore, #tpu.memory_space<semaphore_mem>>) {add = true}
      %add3A_93 = arith.constant 1 : i32
      %add3A_94 = arith.addi %mul3A_21, %add3A_93 : i32
      %dma_start3A_95 = arith.constant 1 : i32
      %dma_start3A_96 = arith.constant 0 : i32
      %dma_start3A_97 = tpu.memref_slice %arg6[%dma_start3A_95, %add3A_94, %dma_start3A_96] : memref<2x160x128xi32, #tpu.memory_space<vmem>> -> memref<1x1x128xi32, #tpu.memory_space<vmem>>
      %dma_start3A_98 = tpu.memref_squeeze %dma_start3A_97 : memref<1x1x128xi32, #tpu.memory_space<vmem>> -> memref<128xi32, #tpu.memory_space<vmem>>
      %dma_start3A_99 = arith.constant 0 : i32
      %dma_start3A_100 = arith.constant 0 : i32
      %dma_start3A_101 = tpu.memref_slice %arg11[%dma_start3A_99, %dma_start3A_100] : memref<10240x64xf32, #tpu.memory_space<vmem_shared>> -> memref<10240x64xf32, #tpu.memory_space<vmem_shared>>
      tpu.enqueue_indirect_dma source(%arg8 : memref<128x64xf32, #tpu.memory_space<vmem>>) target(%dma_start3A_101 : memref<10240x64xf32, #tpu.memory_space<vmem_shared>>) offsets(%dma_start3A_98 : memref<128xi32, #tpu.memory_space<vmem>>) semaphore(%arg13 : memref<!tpu.dma_semaphore, #tpu.memory_space<semaphore_mem>>) {add = true}
      %add3A_102 = arith.constant 2 : i32
      %add3A_103 = arith.addi %mul3A_21, %add3A_102 : i32
      %dma_start3A_104 = arith.constant 1 : i32
      %dma_start3A_105 = arith.constant 0 : i32
      %dma_start3A_106 = tpu.memref_slice %arg6[%dma_start3A_104, %add3A_103, %dma_start3A_105] : memref<2x160x128xi32, #tpu.memory_space<vmem>> -> memref<1x1x128xi32, #tpu.memory_space<vmem>>
      %dma_start3A_107 = tpu.memref_squeeze %dma_start3A_106 : memref<1x1x128xi32, #tpu.memory_space<vmem>> -> memref<128xi32, #tpu.memory_space<vmem>>
      %dma_start3A_108 = arith.constant 0 : i32
      %dma_start3A_109 = arith.constant 0 : i32
      %dma_start3A_110 = tpu.memref_slice %arg11[%dma_start3A_108, %dma_start3A_109] : memref<10240x64xf32, #tpu.memory_space<vmem_shared>> -> memref<10240x64xf32, #tpu.memory_space<vmem_shared>>
      tpu.enqueue_indirect_dma source(%arg9 : memref<128x64xf32, #tpu.memory_space<vmem>>) target(%dma_start3A_110 : memref<10240x64xf32, #tpu.memory_space<vmem_shared>>) offsets(%dma_start3A_107 : memref<128xi32, #tpu.memory_space<vmem>>) semaphore(%arg13 : memref<!tpu.dma_semaphore, #tpu.memory_space<semaphore_mem>>) {add = true}
      %add3A_111 = arith.constant 3 : i32
      %add3A_112 = arith.addi %mul3A_21, %add3A_111 : i32
      %dma_start3A_113 = arith.constant 1 : i32
      %dma_start3A_114 = arith.constant 0 : i32
      %dma_start3A_115 = tpu.memref_slice %arg6[%dma_start3A_113, %add3A_112, %dma_start3A_114] : memref<2x160x128xi32, #tpu.memory_space<vmem>> -> memref<1x1x128xi32, #tpu.memory_space<vmem>>
      %dma_start3A_116 = tpu.memref_squeeze %dma_start3A_115 : memref<1x1x128xi32, #tpu.memory_space<vmem>> -> memref<128xi32, #tpu.memory_space<vmem>>
      %dma_start3A_117 = arith.constant 0 : i32
      %dma_start3A_118 = arith.constant 0 : i32
      %dma_start3A_119 = tpu.memref_slice %arg11[%dma_start3A_117, %dma_start3A_118] : memref<10240x64xf32, #tpu.memory_space<vmem_shared>> -> memref<10240x64xf32, #tpu.memory_space<vmem_shared>>
      tpu.enqueue_indirect_dma source(%arg10 : memref<128x64xf32, #tpu.memory_space<vmem>>) target(%dma_start3A_119 : memref<10240x64xf32, #tpu.memory_space<vmem_shared>>) offsets(%dma_start3A_116 : memref<128xi32, #tpu.memory_space<vmem>>) semaphore(%arg13 : memref<!tpu.dma_semaphore, #tpu.memory_space<semaphore_mem>>) {add = true}
      %dma_wait3A_120 = arith.constant 1 : i32
      %dma_wait3A_121 = arith.constant 0 : i32
      %dma_wait3A_122 = tpu.memref_slice %arg6[%dma_wait3A_120, %add3A_85, %dma_wait3A_121] : memref<2x160x128xi32, #tpu.memory_space<vmem>> -> memref<1x1x128xi32, #tpu.memory_space<vmem>>
      %dma_wait3A_123 = tpu.memref_squeeze %dma_wait3A_122 : memref<1x1x128xi32, #tpu.memory_space<vmem>> -> memref<128xi32, #tpu.memory_space<vmem>>
      %dma_wait3A_124 = arith.constant 0 : i32
      %dma_wait3A_125 = arith.constant 0 : i32
      %dma_wait3A_126 = tpu.memref_slice %arg11[%dma_wait3A_124, %dma_wait3A_125] : memref<10240x64xf32, #tpu.memory_space<vmem_shared>> -> memref<10240x64xf32, #tpu.memory_space<vmem_shared>>
      tpu.wait_indirect_dma semaphore(%arg13 : memref<!tpu.dma_semaphore, #tpu.memory_space<semaphore_mem>>) src(%arg7 : memref<128x64xf32, #tpu.memory_space<vmem>>) dst(%dma_wait3A_126 : memref<10240x64xf32, #tpu.memory_space<vmem_shared>>)
      %dma_wait3A_127 = arith.constant 1 : i32
      %dma_wait3A_128 = arith.constant 0 : i32
      %dma_wait3A_129 = tpu.memref_slice %arg6[%dma_wait3A_127, %add3A_94, %dma_wait3A_128] : memref<2x160x128xi32, #tpu.memory_space<vmem>> -> memref<1x1x128xi32, #tpu.memory_space<vmem>>
      %dma_wait3A_130 = tpu.memref_squeeze %dma_wait3A_129 : memref<1x1x128xi32, #tpu.memory_space<vmem>> -> memref<128xi32, #tpu.memory_space<vmem>>
      %dma_wait3A_131 = arith.constant 0 : i32
      %dma_wait3A_132 = arith.constant 0 : i32
      %dma_wait3A_133 = tpu.memref_slice %arg11[%dma_wait3A_131, %dma_wait3A_132] : memref<10240x64xf32, #tpu.memory_space<vmem_shared>> -> memref<10240x64xf32, #tpu.memory_space<vmem_shared>>
      tpu.wait_indirect_dma semaphore(%arg13 : memref<!tpu.dma_semaphore, #tpu.memory_space<semaphore_mem>>) src(%arg8 : memref<128x64xf32, #tpu.memory_space<vmem>>) dst(%dma_wait3A_133 : memref<10240x64xf32, #tpu.memory_space<vmem_shared>>)
      %dma_wait3A_134 = arith.constant 1 : i32
      %dma_wait3A_135 = arith.constant 0 : i32
      %dma_wait3A_136 = tpu.memref_slice %arg6[%dma_wait3A_134, %add3A_103, %dma_wait3A_135] : memref<2x160x128xi32, #tpu.memory_space<vmem>> -> memref<1x1x128xi32, #tpu.memory_space<vmem>>
      %dma_wait3A_137 = tpu.memref_squeeze %dma_wait3A_136 : memref<1x1x128xi32, #tpu.memory_space<vmem>> -> memref<128xi32, #tpu.memory_space<vmem>>
      %dma_wait3A_138 = arith.constant 0 : i32
      %dma_wait3A_139 = arith.constant 0 : i32
      %dma_wait3A_140 = tpu.memref_slice %arg11[%dma_wait3A_138, %dma_wait3A_139] : memref<10240x64xf32, #tpu.memory_space<vmem_shared>> -> memref<10240x64xf32, #tpu.memory_space<vmem_shared>>
      tpu.wait_indirect_dma semaphore(%arg13 : memref<!tpu.dma_semaphore, #tpu.memory_space<semaphore_mem>>) src(%arg9 : memref<128x64xf32, #tpu.memory_space<vmem>>) dst(%dma_wait3A_140 : memref<10240x64xf32, #tpu.memory_space<vmem_shared>>)
      %dma_wait3A_141 = arith.constant 1 : i32
      %dma_wait3A_142 = arith.constant 0 : i32
      %dma_wait3A_143 = tpu.memref_slice %arg6[%dma_wait3A_141, %add3A_112, %dma_wait3A_142] : memref<2x160x128xi32, #tpu.memory_space<vmem>> -> memref<1x1x128xi32, #tpu.memory_space<vmem>>
      %dma_wait3A_144 = tpu.memref_squeeze %dma_wait3A_143 : memref<1x1x128xi32, #tpu.memory_space<vmem>> -> memref<128xi32, #tpu.memory_space<vmem>>
      %dma_wait3A_145 = arith.constant 0 : i32
      %dma_wait3A_146 = arith.constant 0 : i32
      %dma_wait3A_147 = tpu.memref_slice %arg11[%dma_wait3A_145, %dma_wait3A_146] : memref<10240x64xf32, #tpu.memory_space<vmem_shared>> -> memref<10240x64xf32, #tpu.memory_space<vmem_shared>>
      tpu.wait_indirect_dma semaphore(%arg13 : memref<!tpu.dma_semaphore, #tpu.memory_space<semaphore_mem>>) src(%arg10 : memref<128x64xf32, #tpu.memory_space<vmem>>) dst(%dma_wait3A_147 : memref<10240x64xf32, #tpu.memory_space<vmem_shared>>)
    }
    %scan3A_17 = arith.constant 40 : i32
    %barrier3A_18 = arith.constant 0 : index
    tpu.barrier barrier_id(%barrier3A_18)
    "tpu.region"() ({
      %run_scoped3A = tpu.sem_alloc : memref<!tpu.dma_semaphore, #tpu.memory_space<semaphore_mem>>
      %dma_start3A = arith.constant 0 : i32
      %dma_start3A_19 = tpu.memref_slice %arg5[%mul3A_2, %arg0, %dma_start3A] : memref<10240x2x64xf32, #tpu.memory_space<hbm>> -> memref<640x1x64xf32, #tpu.memory_space<hbm>>
      %dma_start3A_20 = tpu.memref_squeeze %dma_start3A_19 : memref<640x1x64xf32, #tpu.memory_space<hbm>> -> memref<640x64xf32, #tpu.memory_space<hbm>>
      %dma_start3A_21 = arith.constant 0 : i32
      %dma_start3A_22 = tpu.memref_slice %arg11[%mul3A_2, %dma_start3A_21] : memref<10240x64xf32, #tpu.memory_space<vmem_shared>> -> memref<640x64xf32, #tpu.memory_space<vmem_shared>>
      tpu.enqueue_dma source(%dma_start3A_22 : memref<640x64xf32, #tpu.memory_space<vmem_shared>>) target(%dma_start3A_20 : memref<640x64xf32, #tpu.memory_space<hbm>>) target_semaphore(%run_scoped3A : memref<!tpu.dma_semaphore, #tpu.memory_space<semaphore_mem>>)
      %dma_wait3A = arith.constant 0 : i32
      %dma_wait3A_23 = tpu.memref_slice %arg5[%mul3A_2, %arg0, %dma_wait3A] : memref<10240x2x64xf32, #tpu.memory_space<hbm>> -> memref<640x1x64xf32, #tpu.memory_space<hbm>>
      %dma_wait3A_24 = tpu.memref_squeeze %dma_wait3A_23 : memref<640x1x64xf32, #tpu.memory_space<hbm>> -> memref<640x64xf32, #tpu.memory_space<hbm>>
      %dma_wait3A_25 = arith.constant 0 : i32
      %dma_wait3A_26 = tpu.memref_slice %arg11[%mul3A_2, %dma_wait3A_25] : memref<10240x64xf32, #tpu.memory_space<vmem_shared>> -> memref<640x64xf32, #tpu.memory_space<vmem_shared>>
      tpu.wait_dma2 semaphore(%run_scoped3A : memref<!tpu.dma_semaphore, #tpu.memory_space<semaphore_mem>>) src(%dma_wait3A_26 : memref<640x64xf32, #tpu.memory_space<vmem_shared>>) dst(%dma_wait3A_24 : memref<640x64xf32, #tpu.memory_space<hbm>>)
      tpu.yield
    }) : () -> ()
    return
  }
}

#map = affine_map<(d0, d1) -> (0, 0)>
#map1 = affine_map<(d0, d1) -> (0, 0, 0, 0)>
#map2 = affine_map<(d0, d1) -> (0, 0, 0)>
module attributes {stable_mosaic.version = 14 : i64} {
  func.func @agg_kernel(%arg0: i32, %arg1: i32, %arg2: memref<20480x64xf32, #tpu.memory_space<hbm>>, %arg3: memref<32x2x160x128xi32, #tpu.memory_space<hbm>>, %arg4: memref<128x64xf32, #tpu.memory_space<hbm>>, %arg5: memref<10240x2x64xf32, #tpu.memory_space<hbm>>, %arg6: memref<2x160x128xi32, #tpu.memory_space<vmem>>, %arg7: memref<128x64xf32, #tpu.memory_space<vmem>>, %arg8: memref<128x64xf32, #tpu.memory_space<vmem>>, %arg9: memref<128x64xf32, #tpu.memory_space<vmem>>, %arg10: memref<128x64xf32, #tpu.memory_space<vmem>>, %arg11: memref<10240x64xf32, #tpu.memory_space<vmem_shared>>, %arg12: memref<!tpu.dma_semaphore, #tpu.memory_space<semaphore_mem>>, %arg13: memref<!tpu.dma_semaphore, #tpu.memory_space<semaphore_mem>>) attributes {dimension_semantics = [#tpu.dimension_semantics<core_parallel>, #tpu.dimension_semantics<subcore_parallel>], iteration_bounds = array<i64: 2, 16>, scalar_prefetch = 0 : i64, scratch_operands = 8 : i64, tpu.core_type = #tpu.core_type<sc_vector_subcore>, window_params = [{transform_indices = #map}, {transform_indices = #map1}, {transform_indices = #map}, {transform_indices = #map2}]} {
    %mul3A = arith.constant 16 : i32
    %mul3A_0 = arith.muli %arg0, %mul3A : i32
    %add3A = arith.addi %mul3A_0, %arg1 : i32
    %mul3A_1 = arith.constant 640 : i32
    %mul3A_2 = arith.muli %arg1, %mul3A_1 : i32
    "tpu.region"() ({
      %run_scoped3A = tpu.sem_alloc : memref<!tpu.dma_semaphore, #tpu.memory_space<semaphore_mem>>
      tpu.enqueue_dma source(%arg4 : memref<128x64xf32, #tpu.memory_space<hbm>>) target(%arg7 : memref<128x64xf32, #tpu.memory_space<vmem>>) target_semaphore(%run_scoped3A : memref<!tpu.dma_semaphore, #tpu.memory_space<semaphore_mem>>)
      tpu.wait_dma2 semaphore(%run_scoped3A : memref<!tpu.dma_semaphore, #tpu.memory_space<semaphore_mem>>) src(%arg4 : memref<128x64xf32, #tpu.memory_space<hbm>>) dst(%arg7 : memref<128x64xf32, #tpu.memory_space<vmem>>)
      tpu.yield
    }) : () -> ()
    %add3A_3 = arith.constant 0 : i32
    %add3A_4 = arith.addi %mul3A_2, %add3A_3 : i32
    "tpu.region"() ({
      %run_scoped3A = tpu.sem_alloc : memref<!tpu.dma_semaphore, #tpu.memory_space<semaphore_mem>>
      %dma_start3A = arith.constant 0 : i32
      %dma_start3A_19 = tpu.memref_slice %arg11[%add3A_4, %dma_start3A] : memref<10240x64xf32, #tpu.memory_space<vmem_shared>> -> memref<128x64xf32, #tpu.memory_space<vmem_shared>>
      %dma_start3A_20 = arith.constant 0 : i32
      %dma_start3A_21 = tpu.memref_slice %arg11[%add3A_4, %dma_start3A_20] : memref<10240x64xf32, #tpu.memory_space<vmem_shared>> -> memref<128x64xf32, #tpu.memory_space<vmem_shared>>
      tpu.enqueue_dma source(%arg7 : memref<128x64xf32, #tpu.memory_space<vmem>>) target(%dma_start3A_21 : memref<128x64xf32, #tpu.memory_space<vmem_shared>>) target_semaphore(%run_scoped3A : memref<!tpu.dma_semaphore, #tpu.memory_space<semaphore_mem>>)
      %dma_wait3A = arith.constant 0 : i32
      %dma_wait3A_22 = tpu.memref_slice %arg11[%add3A_4, %dma_wait3A] : memref<10240x64xf32, #tpu.memory_space<vmem_shared>> -> memref<128x64xf32, #tpu.memory_space<vmem_shared>>
      %dma_wait3A_23 = arith.constant 0 : i32
      %dma_wait3A_24 = tpu.memref_slice %arg11[%add3A_4, %dma_wait3A_23] : memref<10240x64xf32, #tpu.memory_space<vmem_shared>> -> memref<128x64xf32, #tpu.memory_space<vmem_shared>>
      tpu.wait_dma2 semaphore(%run_scoped3A : memref<!tpu.dma_semaphore, #tpu.memory_space<semaphore_mem>>) src(%arg7 : memref<128x64xf32, #tpu.memory_space<vmem>>) dst(%dma_wait3A_24 : memref<128x64xf32, #tpu.memory_space<vmem_shared>>)
      tpu.yield
    }) : () -> ()
    %add3A_5 = arith.constant 128 : i32
    %add3A_6 = arith.addi %mul3A_2, %add3A_5 : i32
    "tpu.region"() ({
      %run_scoped3A = tpu.sem_alloc : memref<!tpu.dma_semaphore, #tpu.memory_space<semaphore_mem>>
      %dma_start3A = arith.constant 0 : i32
      %dma_start3A_19 = tpu.memref_slice %arg11[%add3A_6, %dma_start3A] : memref<10240x64xf32, #tpu.memory_space<vmem_shared>> -> memref<128x64xf32, #tpu.memory_space<vmem_shared>>
      %dma_start3A_20 = arith.constant 0 : i32
      %dma_start3A_21 = tpu.memref_slice %arg11[%add3A_6, %dma_start3A_20] : memref<10240x64xf32, #tpu.memory_space<vmem_shared>> -> memref<128x64xf32, #tpu.memory_space<vmem_shared>>
      tpu.enqueue_dma source(%arg7 : memref<128x64xf32, #tpu.memory_space<vmem>>) target(%dma_start3A_21 : memref<128x64xf32, #tpu.memory_space<vmem_shared>>) target_semaphore(%run_scoped3A : memref<!tpu.dma_semaphore, #tpu.memory_space<semaphore_mem>>)
      %dma_wait3A = arith.constant 0 : i32
      %dma_wait3A_22 = tpu.memref_slice %arg11[%add3A_6, %dma_wait3A] : memref<10240x64xf32, #tpu.memory_space<vmem_shared>> -> memref<128x64xf32, #tpu.memory_space<vmem_shared>>
      %dma_wait3A_23 = arith.constant 0 : i32
      %dma_wait3A_24 = tpu.memref_slice %arg11[%add3A_6, %dma_wait3A_23] : memref<10240x64xf32, #tpu.memory_space<vmem_shared>> -> memref<128x64xf32, #tpu.memory_space<vmem_shared>>
      tpu.wait_dma2 semaphore(%run_scoped3A : memref<!tpu.dma_semaphore, #tpu.memory_space<semaphore_mem>>) src(%arg7 : memref<128x64xf32, #tpu.memory_space<vmem>>) dst(%dma_wait3A_24 : memref<128x64xf32, #tpu.memory_space<vmem_shared>>)
      tpu.yield
    }) : () -> ()
    %add3A_7 = arith.constant 256 : i32
    %add3A_8 = arith.addi %mul3A_2, %add3A_7 : i32
    "tpu.region"() ({
      %run_scoped3A = tpu.sem_alloc : memref<!tpu.dma_semaphore, #tpu.memory_space<semaphore_mem>>
      %dma_start3A = arith.constant 0 : i32
      %dma_start3A_19 = tpu.memref_slice %arg11[%add3A_8, %dma_start3A] : memref<10240x64xf32, #tpu.memory_space<vmem_shared>> -> memref<128x64xf32, #tpu.memory_space<vmem_shared>>
      %dma_start3A_20 = arith.constant 0 : i32
      %dma_start3A_21 = tpu.memref_slice %arg11[%add3A_8, %dma_start3A_20] : memref<10240x64xf32, #tpu.memory_space<vmem_shared>> -> memref<128x64xf32, #tpu.memory_space<vmem_shared>>
      tpu.enqueue_dma source(%arg7 : memref<128x64xf32, #tpu.memory_space<vmem>>) target(%dma_start3A_21 : memref<128x64xf32, #tpu.memory_space<vmem_shared>>) target_semaphore(%run_scoped3A : memref<!tpu.dma_semaphore, #tpu.memory_space<semaphore_mem>>)
      %dma_wait3A = arith.constant 0 : i32
      %dma_wait3A_22 = tpu.memref_slice %arg11[%add3A_8, %dma_wait3A] : memref<10240x64xf32, #tpu.memory_space<vmem_shared>> -> memref<128x64xf32, #tpu.memory_space<vmem_shared>>
      %dma_wait3A_23 = arith.constant 0 : i32
      %dma_wait3A_24 = tpu.memref_slice %arg11[%add3A_8, %dma_wait3A_23] : memref<10240x64xf32, #tpu.memory_space<vmem_shared>> -> memref<128x64xf32, #tpu.memory_space<vmem_shared>>
      tpu.wait_dma2 semaphore(%run_scoped3A : memref<!tpu.dma_semaphore, #tpu.memory_space<semaphore_mem>>) src(%arg7 : memref<128x64xf32, #tpu.memory_space<vmem>>) dst(%dma_wait3A_24 : memref<128x64xf32, #tpu.memory_space<vmem_shared>>)
      tpu.yield
    }) : () -> ()
    %add3A_9 = arith.constant 384 : i32
    %add3A_10 = arith.addi %mul3A_2, %add3A_9 : i32
    "tpu.region"() ({
      %run_scoped3A = tpu.sem_alloc : memref<!tpu.dma_semaphore, #tpu.memory_space<semaphore_mem>>
      %dma_start3A = arith.constant 0 : i32
      %dma_start3A_19 = tpu.memref_slice %arg11[%add3A_10, %dma_start3A] : memref<10240x64xf32, #tpu.memory_space<vmem_shared>> -> memref<128x64xf32, #tpu.memory_space<vmem_shared>>
      %dma_start3A_20 = arith.constant 0 : i32
      %dma_start3A_21 = tpu.memref_slice %arg11[%add3A_10, %dma_start3A_20] : memref<10240x64xf32, #tpu.memory_space<vmem_shared>> -> memref<128x64xf32, #tpu.memory_space<vmem_shared>>
      tpu.enqueue_dma source(%arg7 : memref<128x64xf32, #tpu.memory_space<vmem>>) target(%dma_start3A_21 : memref<128x64xf32, #tpu.memory_space<vmem_shared>>) target_semaphore(%run_scoped3A : memref<!tpu.dma_semaphore, #tpu.memory_space<semaphore_mem>>)
      %dma_wait3A = arith.constant 0 : i32
      %dma_wait3A_22 = tpu.memref_slice %arg11[%add3A_10, %dma_wait3A] : memref<10240x64xf32, #tpu.memory_space<vmem_shared>> -> memref<128x64xf32, #tpu.memory_space<vmem_shared>>
      %dma_wait3A_23 = arith.constant 0 : i32
      %dma_wait3A_24 = tpu.memref_slice %arg11[%add3A_10, %dma_wait3A_23] : memref<10240x64xf32, #tpu.memory_space<vmem_shared>> -> memref<128x64xf32, #tpu.memory_space<vmem_shared>>
      tpu.wait_dma2 semaphore(%run_scoped3A : memref<!tpu.dma_semaphore, #tpu.memory_space<semaphore_mem>>) src(%arg7 : memref<128x64xf32, #tpu.memory_space<vmem>>) dst(%dma_wait3A_24 : memref<128x64xf32, #tpu.memory_space<vmem_shared>>)
      tpu.yield
    }) : () -> ()
    %add3A_11 = arith.constant 512 : i32
    %add3A_12 = arith.addi %mul3A_2, %add3A_11 : i32
    "tpu.region"() ({
      %run_scoped3A = tpu.sem_alloc : memref<!tpu.dma_semaphore, #tpu.memory_space<semaphore_mem>>
      %dma_start3A = arith.constant 0 : i32
      %dma_start3A_19 = tpu.memref_slice %arg11[%add3A_12, %dma_start3A] : memref<10240x64xf32, #tpu.memory_space<vmem_shared>> -> memref<128x64xf32, #tpu.memory_space<vmem_shared>>
      %dma_start3A_20 = arith.constant 0 : i32
      %dma_start3A_21 = tpu.memref_slice %arg11[%add3A_12, %dma_start3A_20] : memref<10240x64xf32, #tpu.memory_space<vmem_shared>> -> memref<128x64xf32, #tpu.memory_space<vmem_shared>>
      tpu.enqueue_dma source(%arg7 : memref<128x64xf32, #tpu.memory_space<vmem>>) target(%dma_start3A_21 : memref<128x64xf32, #tpu.memory_space<vmem_shared>>) target_semaphore(%run_scoped3A : memref<!tpu.dma_semaphore, #tpu.memory_space<semaphore_mem>>)
      %dma_wait3A = arith.constant 0 : i32
      %dma_wait3A_22 = tpu.memref_slice %arg11[%add3A_12, %dma_wait3A] : memref<10240x64xf32, #tpu.memory_space<vmem_shared>> -> memref<128x64xf32, #tpu.memory_space<vmem_shared>>
      %dma_wait3A_23 = arith.constant 0 : i32
      %dma_wait3A_24 = tpu.memref_slice %arg11[%add3A_12, %dma_wait3A_23] : memref<10240x64xf32, #tpu.memory_space<vmem_shared>> -> memref<128x64xf32, #tpu.memory_space<vmem_shared>>
      tpu.wait_dma2 semaphore(%run_scoped3A : memref<!tpu.dma_semaphore, #tpu.memory_space<semaphore_mem>>) src(%arg7 : memref<128x64xf32, #tpu.memory_space<vmem>>) dst(%dma_wait3A_24 : memref<128x64xf32, #tpu.memory_space<vmem_shared>>)
      tpu.yield
    }) : () -> ()
    "tpu.region"() ({
      %run_scoped3A = tpu.sem_alloc : memref<!tpu.dma_semaphore, #tpu.memory_space<semaphore_mem>>
      %dma_start3A = arith.constant 0 : i32
      %dma_start3A_19 = arith.constant 0 : i32
      %dma_start3A_20 = arith.constant 0 : i32
      %dma_start3A_21 = tpu.memref_slice %arg3[%add3A, %dma_start3A, %dma_start3A_19, %dma_start3A_20] : memref<32x2x160x128xi32, #tpu.memory_space<hbm>> -> memref<1x2x160x128xi32, #tpu.memory_space<hbm>>
      %dma_start3A_22 = tpu.memref_squeeze %dma_start3A_21 : memref<1x2x160x128xi32, #tpu.memory_space<hbm>> -> memref<2x160x128xi32, #tpu.memory_space<hbm>>
      %dma_start3A_23 = arith.constant 0 : i32
      %dma_start3A_24 = arith.constant 0 : i32
      %dma_start3A_25 = arith.constant 0 : i32
      %dma_start3A_26 = tpu.memref_slice %arg3[%add3A, %dma_start3A_23, %dma_start3A_24, %dma_start3A_25] : memref<32x2x160x128xi32, #tpu.memory_space<hbm>> -> memref<1x2x160x128xi32, #tpu.memory_space<hbm>>
      %dma_start3A_27 = tpu.memref_squeeze %dma_start3A_26 : memref<1x2x160x128xi32, #tpu.memory_space<hbm>> -> memref<2x160x128xi32, #tpu.memory_space<hbm>>
      tpu.enqueue_dma source(%dma_start3A_27 : memref<2x160x128xi32, #tpu.memory_space<hbm>>) target(%arg6 : memref<2x160x128xi32, #tpu.memory_space<vmem>>) target_semaphore(%run_scoped3A : memref<!tpu.dma_semaphore, #tpu.memory_space<semaphore_mem>>)
      %dma_wait3A = arith.constant 0 : i32
      %dma_wait3A_28 = arith.constant 0 : i32
      %dma_wait3A_29 = arith.constant 0 : i32
      %dma_wait3A_30 = tpu.memref_slice %arg3[%add3A, %dma_wait3A, %dma_wait3A_28, %dma_wait3A_29] : memref<32x2x160x128xi32, #tpu.memory_space<hbm>> -> memref<1x2x160x128xi32, #tpu.memory_space<hbm>>
      %dma_wait3A_31 = tpu.memref_squeeze %dma_wait3A_30 : memref<1x2x160x128xi32, #tpu.memory_space<hbm>> -> memref<2x160x128xi32, #tpu.memory_space<hbm>>
      %dma_wait3A_32 = arith.constant 0 : i32
      %dma_wait3A_33 = arith.constant 0 : i32
      %dma_wait3A_34 = arith.constant 0 : i32
      %dma_wait3A_35 = tpu.memref_slice %arg3[%add3A, %dma_wait3A_32, %dma_wait3A_33, %dma_wait3A_34] : memref<32x2x160x128xi32, #tpu.memory_space<hbm>> -> memref<1x2x160x128xi32, #tpu.memory_space<hbm>>
      %dma_wait3A_36 = tpu.memref_squeeze %dma_wait3A_35 : memref<1x2x160x128xi32, #tpu.memory_space<hbm>> -> memref<2x160x128xi32, #tpu.memory_space<hbm>>
      tpu.wait_dma2 semaphore(%run_scoped3A : memref<!tpu.dma_semaphore, #tpu.memory_space<semaphore_mem>>) src(%dma_wait3A_36 : memref<2x160x128xi32, #tpu.memory_space<hbm>>) dst(%arg6 : memref<2x160x128xi32, #tpu.memory_space<vmem>>)
      tpu.yield
    }) : () -> ()
    %barrier3A = arith.constant 0 : index
    tpu.barrier barrier_id(%barrier3A)
    %scan3A = arith.constant 0 : i32
    %scan3A_13 = arith.constant 0 : i32
    %scan3A_14 = arith.constant 40 : i32
    %scan3A_15 = arith.addi %scan3A_13, %scan3A_14 : i32
    %scan3A_16 = arith.constant 1 : i32
    scf.for %scan3A_19 = %scan3A_13 to %scan3A_15 step %scan3A_16  : i32 {
      %mul3A_20 = arith.constant 4 : i32
      %mul3A_21 = arith.muli %scan3A_19, %mul3A_20 : i32
      %add3A_22 = arith.constant 0 : i32
      %add3A_23 = arith.addi %mul3A_21, %add3A_22 : i32
      %dma_start3A = arith.constant 0 : i32
      %dma_start3A_24 = arith.constant 0 : i32
      %dma_start3A_25 = tpu.memref_slice %arg6[%dma_start3A, %add3A_23, %dma_start3A_24] : memref<2x160x128xi32, #tpu.memory_space<vmem>> -> memref<1x1x128xi32, #tpu.memory_space<vmem>>
      %dma_start3A_26 = tpu.memref_squeeze %dma_start3A_25 : memref<1x1x128xi32, #tpu.memory_space<vmem>> -> memref<128xi32, #tpu.memory_space<vmem>>
      %dma_start3A_27 = arith.constant 0 : i32
      %dma_start3A_28 = arith.constant 0 : i32
      %dma_start3A_29 = tpu.memref_slice %arg2[%dma_start3A_27, %dma_start3A_28] : memref<20480x64xf32, #tpu.memory_space<hbm>> -> memref<20480x64xf32, #tpu.memory_space<hbm>>
      tpu.enqueue_indirect_dma source(%dma_start3A_29 : memref<20480x64xf32, #tpu.memory_space<hbm>>) target(%arg7 : memref<128x64xf32, #tpu.memory_space<vmem>>) offsets(%dma_start3A_26 : memref<128xi32, #tpu.memory_space<vmem>>) semaphore(%arg12 : memref<!tpu.dma_semaphore, #tpu.memory_space<semaphore_mem>>)
      %add3A_30 = arith.constant 1 : i32
      %add3A_31 = arith.addi %mul3A_21, %add3A_30 : i32
      %dma_start3A_32 = arith.constant 0 : i32
      %dma_start3A_33 = arith.constant 0 : i32
      %dma_start3A_34 = tpu.memref_slice %arg6[%dma_start3A_32, %add3A_31, %dma_start3A_33] : memref<2x160x128xi32, #tpu.memory_space<vmem>> -> memref<1x1x128xi32, #tpu.memory_space<vmem>>
      %dma_start3A_35 = tpu.memref_squeeze %dma_start3A_34 : memref<1x1x128xi32, #tpu.memory_space<vmem>> -> memref<128xi32, #tpu.memory_space<vmem>>
      %dma_start3A_36 = arith.constant 0 : i32
      %dma_start3A_37 = arith.constant 0 : i32
      %dma_start3A_38 = tpu.memref_slice %arg2[%dma_start3A_36, %dma_start3A_37] : memref<20480x64xf32, #tpu.memory_space<hbm>> -> memref<20480x64xf32, #tpu.memory_space<hbm>>
      tpu.enqueue_indirect_dma source(%dma_start3A_38 : memref<20480x64xf32, #tpu.memory_space<hbm>>) target(%arg8 : memref<128x64xf32, #tpu.memory_space<vmem>>) offsets(%dma_start3A_35 : memref<128xi32, #tpu.memory_space<vmem>>) semaphore(%arg12 : memref<!tpu.dma_semaphore, #tpu.memory_space<semaphore_mem>>)
      %add3A_39 = arith.constant 2 : i32
      %add3A_40 = arith.addi %mul3A_21, %add3A_39 : i32
      %dma_start3A_41 = arith.constant 0 : i32
      %dma_start3A_42 = arith.constant 0 : i32
      %dma_start3A_43 = tpu.memref_slice %arg6[%dma_start3A_41, %add3A_40, %dma_start3A_42] : memref<2x160x128xi32, #tpu.memory_space<vmem>> -> memref<1x1x128xi32, #tpu.memory_space<vmem>>
      %dma_start3A_44 = tpu.memref_squeeze %dma_start3A_43 : memref<1x1x128xi32, #tpu.memory_space<vmem>> -> memref<128xi32, #tpu.memory_space<vmem>>
      %dma_start3A_45 = arith.constant 0 : i32
      %dma_start3A_46 = arith.constant 0 : i32
      %dma_start3A_47 = tpu.memref_slice %arg2[%dma_start3A_45, %dma_start3A_46] : memref<20480x64xf32, #tpu.memory_space<hbm>> -> memref<20480x64xf32, #tpu.memory_space<hbm>>
      tpu.enqueue_indirect_dma source(%dma_start3A_47 : memref<20480x64xf32, #tpu.memory_space<hbm>>) target(%arg9 : memref<128x64xf32, #tpu.memory_space<vmem>>) offsets(%dma_start3A_44 : memref<128xi32, #tpu.memory_space<vmem>>) semaphore(%arg12 : memref<!tpu.dma_semaphore, #tpu.memory_space<semaphore_mem>>)
      %add3A_48 = arith.constant 3 : i32
      %add3A_49 = arith.addi %mul3A_21, %add3A_48 : i32
      %dma_start3A_50 = arith.constant 0 : i32
      %dma_start3A_51 = arith.constant 0 : i32
      %dma_start3A_52 = tpu.memref_slice %arg6[%dma_start3A_50, %add3A_49, %dma_start3A_51] : memref<2x160x128xi32, #tpu.memory_space<vmem>> -> memref<1x1x128xi32, #tpu.memory_space<vmem>>
      %dma_start3A_53 = tpu.memref_squeeze %dma_start3A_52 : memref<1x1x128xi32, #tpu.memory_space<vmem>> -> memref<128xi32, #tpu.memory_space<vmem>>
      %dma_start3A_54 = arith.constant 0 : i32
      %dma_start3A_55 = arith.constant 0 : i32
      %dma_start3A_56 = tpu.memref_slice %arg2[%dma_start3A_54, %dma_start3A_55] : memref<20480x64xf32, #tpu.memory_space<hbm>> -> memref<20480x64xf32, #tpu.memory_space<hbm>>
      tpu.enqueue_indirect_dma source(%dma_start3A_56 : memref<20480x64xf32, #tpu.memory_space<hbm>>) target(%arg10 : memref<128x64xf32, #tpu.memory_space<vmem>>) offsets(%dma_start3A_53 : memref<128xi32, #tpu.memory_space<vmem>>) semaphore(%arg12 : memref<!tpu.dma_semaphore, #tpu.memory_space<semaphore_mem>>)
      %dma_wait3A = arith.constant 0 : i32
      %dma_wait3A_57 = arith.constant 0 : i32
      %dma_wait3A_58 = tpu.memref_slice %arg6[%dma_wait3A, %add3A_23, %dma_wait3A_57] : memref<2x160x128xi32, #tpu.memory_space<vmem>> -> memref<1x1x128xi32, #tpu.memory_space<vmem>>
      %dma_wait3A_59 = tpu.memref_squeeze %dma_wait3A_58 : memref<1x1x128xi32, #tpu.memory_space<vmem>> -> memref<128xi32, #tpu.memory_space<vmem>>
      %dma_wait3A_60 = arith.constant 0 : i32
      %dma_wait3A_61 = arith.constant 0 : i32
      %dma_wait3A_62 = tpu.memref_slice %arg2[%dma_wait3A_60, %dma_wait3A_61] : memref<20480x64xf32, #tpu.memory_space<hbm>> -> memref<20480x64xf32, #tpu.memory_space<hbm>>
      tpu.wait_indirect_dma semaphore(%arg12 : memref<!tpu.dma_semaphore, #tpu.memory_space<semaphore_mem>>) src(%dma_wait3A_62 : memref<20480x64xf32, #tpu.memory_space<hbm>>) dst(%arg7 : memref<128x64xf32, #tpu.memory_space<vmem>>)
      %dma_wait3A_63 = arith.constant 0 : i32
      %dma_wait3A_64 = arith.constant 0 : i32
      %dma_wait3A_65 = tpu.memref_slice %arg6[%dma_wait3A_63, %add3A_31, %dma_wait3A_64] : memref<2x160x128xi32, #tpu.memory_space<vmem>> -> memref<1x1x128xi32, #tpu.memory_space<vmem>>
      %dma_wait3A_66 = tpu.memref_squeeze %dma_wait3A_65 : memref<1x1x128xi32, #tpu.memory_space<vmem>> -> memref<128xi32, #tpu.memory_space<vmem>>
      %dma_wait3A_67 = arith.constant 0 : i32
      %dma_wait3A_68 = arith.constant 0 : i32
      %dma_wait3A_69 = tpu.memref_slice %arg2[%dma_wait3A_67, %dma_wait3A_68] : memref<20480x64xf32, #tpu.memory_space<hbm>> -> memref<20480x64xf32, #tpu.memory_space<hbm>>
      tpu.wait_indirect_dma semaphore(%arg12 : memref<!tpu.dma_semaphore, #tpu.memory_space<semaphore_mem>>) src(%dma_wait3A_69 : memref<20480x64xf32, #tpu.memory_space<hbm>>) dst(%arg8 : memref<128x64xf32, #tpu.memory_space<vmem>>)
      %dma_wait3A_70 = arith.constant 0 : i32
      %dma_wait3A_71 = arith.constant 0 : i32
      %dma_wait3A_72 = tpu.memref_slice %arg6[%dma_wait3A_70, %add3A_40, %dma_wait3A_71] : memref<2x160x128xi32, #tpu.memory_space<vmem>> -> memref<1x1x128xi32, #tpu.memory_space<vmem>>
      %dma_wait3A_73 = tpu.memref_squeeze %dma_wait3A_72 : memref<1x1x128xi32, #tpu.memory_space<vmem>> -> memref<128xi32, #tpu.memory_space<vmem>>
      %dma_wait3A_74 = arith.constant 0 : i32
      %dma_wait3A_75 = arith.constant 0 : i32
      %dma_wait3A_76 = tpu.memref_slice %arg2[%dma_wait3A_74, %dma_wait3A_75] : memref<20480x64xf32, #tpu.memory_space<hbm>> -> memref<20480x64xf32, #tpu.memory_space<hbm>>
      tpu.wait_indirect_dma semaphore(%arg12 : memref<!tpu.dma_semaphore, #tpu.memory_space<semaphore_mem>>) src(%dma_wait3A_76 : memref<20480x64xf32, #tpu.memory_space<hbm>>) dst(%arg9 : memref<128x64xf32, #tpu.memory_space<vmem>>)
      %dma_wait3A_77 = arith.constant 0 : i32
      %dma_wait3A_78 = arith.constant 0 : i32
      %dma_wait3A_79 = tpu.memref_slice %arg6[%dma_wait3A_77, %add3A_49, %dma_wait3A_78] : memref<2x160x128xi32, #tpu.memory_space<vmem>> -> memref<1x1x128xi32, #tpu.memory_space<vmem>>
      %dma_wait3A_80 = tpu.memref_squeeze %dma_wait3A_79 : memref<1x1x128xi32, #tpu.memory_space<vmem>> -> memref<128xi32, #tpu.memory_space<vmem>>
      %dma_wait3A_81 = arith.constant 0 : i32
      %dma_wait3A_82 = arith.constant 0 : i32
      %dma_wait3A_83 = tpu.memref_slice %arg2[%dma_wait3A_81, %dma_wait3A_82] : memref<20480x64xf32, #tpu.memory_space<hbm>> -> memref<20480x64xf32, #tpu.memory_space<hbm>>
      tpu.wait_indirect_dma semaphore(%arg12 : memref<!tpu.dma_semaphore, #tpu.memory_space<semaphore_mem>>) src(%dma_wait3A_83 : memref<20480x64xf32, #tpu.memory_space<hbm>>) dst(%arg10 : memref<128x64xf32, #tpu.memory_space<vmem>>)
      %add3A_84 = arith.constant 0 : i32
      %add3A_85 = arith.addi %mul3A_21, %add3A_84 : i32
      %dma_start3A_86 = arith.constant 1 : i32
      %dma_start3A_87 = arith.constant 0 : i32
      %dma_start3A_88 = tpu.memref_slice %arg6[%dma_start3A_86, %add3A_85, %dma_start3A_87] : memref<2x160x128xi32, #tpu.memory_space<vmem>> -> memref<1x1x128xi32, #tpu.memory_space<vmem>>
      %dma_start3A_89 = tpu.memref_squeeze %dma_start3A_88 : memref<1x1x128xi32, #tpu.memory_space<vmem>> -> memref<128xi32, #tpu.memory_space<vmem>>
      %dma_start3A_90 = arith.constant 0 : i32
      %dma_start3A_91 = arith.constant 0 : i32
      %dma_start3A_92 = tpu.memref_slice %arg11[%dma_start3A_90, %dma_start3A_91] : memref<10240x64xf32, #tpu.memory_space<vmem_shared>> -> memref<10240x64xf32, #tpu.memory_space<vmem_shared>>
      tpu.enqueue_indirect_dma source(%arg7 : memref<128x64xf32, #tpu.memory_space<vmem>>) target(%dma_start3A_92 : memref<10240x64xf32, #tpu.memory_space<vmem_shared>>) offsets(%dma_start3A_89 : memref<128xi32, #tpu.memory_space<vmem>>) semaphore(%arg13 : memref<!tpu.dma_semaphore, #tpu.memory_space<semaphore_mem>>) {add = true}
      %add3A_93 = arith.constant 1 : i32
      %add3A_94 = arith.addi %mul3A_21, %add3A_93 : i32
      %dma_start3A_95 = arith.constant 1 : i32
      %dma_start3A_96 = arith.constant 0 : i32
      %dma_start3A_97 = tpu.memref_slice %arg6[%dma_start3A_95, %add3A_94, %dma_start3A_96] : memref<2x160x128xi32, #tpu.memory_space<vmem>> -> memref<1x1x128xi32, #tpu.memory_space<vmem>>
      %dma_start3A_98 = tpu.memref_squeeze %dma_start3A_97 : memref<1x1x128xi32, #tpu.memory_space<vmem>> -> memref<128xi32, #tpu.memory_space<vmem>>
      %dma_start3A_99 = arith.constant 0 : i32
      %dma_start3A_100 = arith.constant 0 : i32
      %dma_start3A_101 = tpu.memref_slice %arg11[%dma_start3A_99, %dma_start3A_100] : memref<10240x64xf32, #tpu.memory_space<vmem_shared>> -> memref<10240x64xf32, #tpu.memory_space<vmem_shared>>
      tpu.enqueue_indirect_dma source(%arg8 : memref<128x64xf32, #tpu.memory_space<vmem>>) target(%dma_start3A_101 : memref<10240x64xf32, #tpu.memory_space<vmem_shared>>) offsets(%dma_start3A_98 : memref<128xi32, #tpu.memory_space<vmem>>) semaphore(%arg13 : memref<!tpu.dma_semaphore, #tpu.memory_space<semaphore_mem>>) {add = true}
      %add3A_102 = arith.constant 2 : i32
      %add3A_103 = arith.addi %mul3A_21, %add3A_102 : i32
      %dma_start3A_104 = arith.constant 1 : i32
      %dma_start3A_105 = arith.constant 0 : i32
      %dma_start3A_106 = tpu.memref_slice %arg6[%dma_start3A_104, %add3A_103, %dma_start3A_105] : memref<2x160x128xi32, #tpu.memory_space<vmem>> -> memref<1x1x128xi32, #tpu.memory_space<vmem>>
      %dma_start3A_107 = tpu.memref_squeeze %dma_start3A_106 : memref<1x1x128xi32, #tpu.memory_space<vmem>> -> memref<128xi32, #tpu.memory_space<vmem>>
      %dma_start3A_108 = arith.constant 0 : i32
      %dma_start3A_109 = arith.constant 0 : i32
      %dma_start3A_110 = tpu.memref_slice %arg11[%dma_start3A_108, %dma_start3A_109] : memref<10240x64xf32, #tpu.memory_space<vmem_shared>> -> memref<10240x64xf32, #tpu.memory_space<vmem_shared>>
      tpu.enqueue_indirect_dma source(%arg9 : memref<128x64xf32, #tpu.memory_space<vmem>>) target(%dma_start3A_110 : memref<10240x64xf32, #tpu.memory_space<vmem_shared>>) offsets(%dma_start3A_107 : memref<128xi32, #tpu.memory_space<vmem>>) semaphore(%arg13 : memref<!tpu.dma_semaphore, #tpu.memory_space<semaphore_mem>>) {add = true}
      %add3A_111 = arith.constant 3 : i32
      %add3A_112 = arith.addi %mul3A_21, %add3A_111 : i32
      %dma_start3A_113 = arith.constant 1 : i32
      %dma_start3A_114 = arith.constant 0 : i32
      %dma_start3A_115 = tpu.memref_slice %arg6[%dma_start3A_113, %add3A_112, %dma_start3A_114] : memref<2x160x128xi32, #tpu.memory_space<vmem>> -> memref<1x1x128xi32, #tpu.memory_space<vmem>>
      %dma_start3A_116 = tpu.memref_squeeze %dma_start3A_115 : memref<1x1x128xi32, #tpu.memory_space<vmem>> -> memref<128xi32, #tpu.memory_space<vmem>>
      %dma_start3A_117 = arith.constant 0 : i32
      %dma_start3A_118 = arith.constant 0 : i32
      %dma_start3A_119 = tpu.memref_slice %arg11[%dma_start3A_117, %dma_start3A_118] : memref<10240x64xf32, #tpu.memory_space<vmem_shared>> -> memref<10240x64xf32, #tpu.memory_space<vmem_shared>>
      tpu.enqueue_indirect_dma source(%arg10 : memref<128x64xf32, #tpu.memory_space<vmem>>) target(%dma_start3A_119 : memref<10240x64xf32, #tpu.memory_space<vmem_shared>>) offsets(%dma_start3A_116 : memref<128xi32, #tpu.memory_space<vmem>>) semaphore(%arg13 : memref<!tpu.dma_semaphore, #tpu.memory_space<semaphore_mem>>) {add = true}
      %dma_wait3A_120 = arith.constant 1 : i32
      %dma_wait3A_121 = arith.constant 0 : i32
      %dma_wait3A_122 = tpu.memref_slice %arg6[%dma_wait3A_120, %add3A_85, %dma_wait3A_121] : memref<2x160x128xi32, #tpu.memory_space<vmem>> -> memref<1x1x128xi32, #tpu.memory_space<vmem>>
      %dma_wait3A_123 = tpu.memref_squeeze %dma_wait3A_122 : memref<1x1x128xi32, #tpu.memory_space<vmem>> -> memref<128xi32, #tpu.memory_space<vmem>>
      %dma_wait3A_124 = arith.constant 0 : i32
      %dma_wait3A_125 = arith.constant 0 : i32
      %dma_wait3A_126 = tpu.memref_slice %arg11[%dma_wait3A_124, %dma_wait3A_125] : memref<10240x64xf32, #tpu.memory_space<vmem_shared>> -> memref<10240x64xf32, #tpu.memory_space<vmem_shared>>
      tpu.wait_indirect_dma semaphore(%arg13 : memref<!tpu.dma_semaphore, #tpu.memory_space<semaphore_mem>>) src(%arg7 : memref<128x64xf32, #tpu.memory_space<vmem>>) dst(%dma_wait3A_126 : memref<10240x64xf32, #tpu.memory_space<vmem_shared>>)
      %dma_wait3A_127 = arith.constant 1 : i32
      %dma_wait3A_128 = arith.constant 0 : i32
      %dma_wait3A_129 = tpu.memref_slice %arg6[%dma_wait3A_127, %add3A_94, %dma_wait3A_128] : memref<2x160x128xi32, #tpu.memory_space<vmem>> -> memref<1x1x128xi32, #tpu.memory_space<vmem>>
      %dma_wait3A_130 = tpu.memref_squeeze %dma_wait3A_129 : memref<1x1x128xi32, #tpu.memory_space<vmem>> -> memref<128xi32, #tpu.memory_space<vmem>>
      %dma_wait3A_131 = arith.constant 0 : i32
      %dma_wait3A_132 = arith.constant 0 : i32
      %dma_wait3A_133 = tpu.memref_slice %arg11[%dma_wait3A_131, %dma_wait3A_132] : memref<10240x64xf32, #tpu.memory_space<vmem_shared>> -> memref<10240x64xf32, #tpu.memory_space<vmem_shared>>
      tpu.wait_indirect_dma semaphore(%arg13 : memref<!tpu.dma_semaphore, #tpu.memory_space<semaphore_mem>>) src(%arg8 : memref<128x64xf32, #tpu.memory_space<vmem>>) dst(%dma_wait3A_133 : memref<10240x64xf32, #tpu.memory_space<vmem_shared>>)
      %dma_wait3A_134 = arith.constant 1 : i32
      %dma_wait3A_135 = arith.constant 0 : i32
      %dma_wait3A_136 = tpu.memref_slice %arg6[%dma_wait3A_134, %add3A_103, %dma_wait3A_135] : memref<2x160x128xi32, #tpu.memory_space<vmem>> -> memref<1x1x128xi32, #tpu.memory_space<vmem>>
      %dma_wait3A_137 = tpu.memref_squeeze %dma_wait3A_136 : memref<1x1x128xi32, #tpu.memory_space<vmem>> -> memref<128xi32, #tpu.memory_space<vmem>>
      %dma_wait3A_138 = arith.constant 0 : i32
      %dma_wait3A_139 = arith.constant 0 : i32
      %dma_wait3A_140 = tpu.memref_slice %arg11[%dma_wait3A_138, %dma_wait3A_139] : memref<10240x64xf32, #tpu.memory_space<vmem_shared>> -> memref<10240x64xf32, #tpu.memory_space<vmem_shared>>
      tpu.wait_indirect_dma semaphore(%arg13 : memref<!tpu.dma_semaphore, #tpu.memory_space<semaphore_mem>>) src(%arg9 : memref<128x64xf32, #tpu.memory_space<vmem>>) dst(%dma_wait3A_140 : memref<10240x64xf32, #tpu.memory_space<vmem_shared>>)
      %dma_wait3A_141 = arith.constant 1 : i32
      %dma_wait3A_142 = arith.constant 0 : i32
      %dma_wait3A_143 = tpu.memref_slice %arg6[%dma_wait3A_141, %add3A_112, %dma_wait3A_142] : memref<2x160x128xi32, #tpu.memory_space<vmem>> -> memref<1x1x128xi32, #tpu.memory_space<vmem>>
      %dma_wait3A_144 = tpu.memref_squeeze %dma_wait3A_143 : memref<1x1x128xi32, #tpu.memory_space<vmem>> -> memref<128xi32, #tpu.memory_space<vmem>>
      %dma_wait3A_145 = arith.constant 0 : i32
      %dma_wait3A_146 = arith.constant 0 : i32
      %dma_wait3A_147 = tpu.memref_slice %arg11[%dma_wait3A_145, %dma_wait3A_146] : memref<10240x64xf32, #tpu.memory_space<vmem_shared>> -> memref<10240x64xf32, #tpu.memory_space<vmem_shared>>
      tpu.wait_indirect_dma semaphore(%arg13 : memref<!tpu.dma_semaphore, #tpu.memory_space<semaphore_mem>>) src(%arg10 : memref<128x64xf32, #tpu.memory_space<vmem>>) dst(%dma_wait3A_147 : memref<10240x64xf32, #tpu.memory_space<vmem_shared>>)
    }
    %scan3A_17 = arith.constant 40 : i32
    %barrier3A_18 = arith.constant 0 : index
    tpu.barrier barrier_id(%barrier3A_18)
    "tpu.region"() ({
      %run_scoped3A = tpu.sem_alloc : memref<!tpu.dma_semaphore, #tpu.memory_space<semaphore_mem>>
      %dma_start3A = arith.constant 0 : i32
      %dma_start3A_19 = tpu.memref_slice %arg5[%mul3A_2, %arg0, %dma_start3A] : memref<10240x2x64xf32, #tpu.memory_space<hbm>> -> memref<640x1x64xf32, #tpu.memory_space<hbm>>
      %dma_start3A_20 = tpu.memref_squeeze %dma_start3A_19 : memref<640x1x64xf32, #tpu.memory_space<hbm>> -> memref<640x64xf32, #tpu.memory_space<hbm>>
      %dma_start3A_21 = arith.constant 0 : i32
      %dma_start3A_22 = tpu.memref_slice %arg11[%mul3A_2, %dma_start3A_21] : memref<10240x64xf32, #tpu.memory_space<vmem_shared>> -> memref<640x64xf32, #tpu.memory_space<vmem_shared>>
      tpu.enqueue_dma source(%dma_start3A_22 : memref<640x64xf32, #tpu.memory_space<vmem_shared>>) target(%dma_start3A_20 : memref<640x64xf32, #tpu.memory_space<hbm>>) target_semaphore(%run_scoped3A : memref<!tpu.dma_semaphore, #tpu.memory_space<semaphore_mem>>)
      %dma_wait3A = arith.constant 0 : i32
      %dma_wait3A_23 = tpu.memref_slice %arg5[%mul3A_2, %arg0, %dma_wait3A] : memref<10240x2x64xf32, #tpu.memory_space<hbm>> -> memref<640x1x64xf32, #tpu.memory_space<hbm>>
      %dma_wait3A_24 = tpu.memref_squeeze %dma_wait3A_23 : memref<640x1x64xf32, #tpu.memory_space<hbm>> -> memref<640x64xf32, #tpu.memory_space<hbm>>
      %dma_wait3A_25 = arith.constant 0 : i32
      %dma_wait3A_26 = tpu.memref_slice %arg11[%mul3A_2, %dma_wait3A_25] : memref<10240x64xf32, #tpu.memory_space<vmem_shared>> -> memref<640x64xf32, #tpu.memory_space<vmem_shared>>
      tpu.wait_dma2 semaphore(%run_scoped3A : memref<!tpu.dma_semaphore, #tpu.memory_space<semaphore_mem>>) src(%dma_wait3A_26 : memref<640x64xf32, #tpu.memory_space<vmem_shared>>) dst(%dma_wait3A_24 : memref<640x64xf32, #tpu.memory_space<hbm>>)
      tpu.yield
    }) : () -> ()
    return
  }
}

module attributes {stable_mosaic.version = 14 : i64} {
  func.func @_enc_body(%arg0: i32, %arg1: memref<1024x128xf32, #tpu.memory_space<vmem>>, %arg2: memref<128x128xf32, #tpu.memory_space<vmem>>, %arg3: memref<1x128xf32, #tpu.memory_space<vmem>>, %arg4: memref<128x128xf32, #tpu.memory_space<vmem>>, %arg5: memref<1024x128xf32, #tpu.memory_space<vmem>>, %arg6: memref<1024x128xf32, #tpu.memory_space<vmem>>) attributes {dimension_semantics = [#tpu.dimension_semantics<arbitrary>], iteration_bounds = array<i64: 10>, scalar_prefetch = 0 : i64, scratch_operands = 0 : i64, tpu.core_type = #tpu.core_type<tc>, window_params = [{transform_indices = @transform_0, window_bounds = array<i64: 1024, 128>}, {pipeline_mode = #tpu.pipeline_mode<synchronous>, transform_indices = @transform_1, window_bounds = array<i64: 128, 128>}, {pipeline_mode = #tpu.pipeline_mode<synchronous>, transform_indices = @transform_2, window_bounds = array<i64: 1, 128>}, {pipeline_mode = #tpu.pipeline_mode<synchronous>, transform_indices = @transform_3, window_bounds = array<i64: 128, 128>}, {transform_indices = @transform_4, window_bounds = array<i64: 1024, 128>}, {transform_indices = @transform_5, window_bounds = array<i64: 1024, 128>}]} {
    %get3A = arith.constant 0 : index
    %get3A_0 = arith.constant 0 : index
    %get3A_1 = vector.load %arg1[%get3A, %get3A_0] : memref<1024x128xf32, #tpu.memory_space<vmem>>, vector<1024x128xf32>
    %get3A_2 = arith.constant 0 : index
    %get3A_3 = arith.constant 0 : index
    %get3A_4 = vector.load %arg2[%get3A_2, %get3A_3] : memref<128x128xf32, #tpu.memory_space<vmem>>, vector<128x128xf32>
    %dot_general3A = arith.constant dense<0.000000e+00> : vector<1024x128xf32>
    %dot_general3A_5 = tpu.matmul %get3A_1, %get3A_4, %dot_general3A {dimension_numbers = #tpu.dot_dimension_numbers<[1], [0], [0], [1], [0, 0, 1, 1], [], []>, transpose_lhs_hint = false} : vector<1024x128xf32>, vector<128x128xf32>, vector<1024x128xf32> -> vector<1024x128xf32>
    %get3A_6 = arith.constant 0 : index
    %get3A_7 = arith.constant 0 : index
    %get3A_8 = vector.load %arg3[%get3A_6, %get3A_7] : memref<1x128xf32, #tpu.memory_space<vmem>>, vector<1x128xf32>
    %add3A = vector.broadcast %get3A_8 : vector<1x128xf32> to vector<1024x128xf32>
    %add3A_9 = arith.addf %dot_general3A_5, %add3A : vector<1024x128xf32>
    %swap3A = arith.constant 0 : index
    %swap3A_10 = arith.constant 0 : index
    %swap3A_11 = vector.load %arg5[%swap3A, %swap3A_10] : memref<1024x128xf32, #tpu.memory_space<vmem>>, vector<1024x128xf32>
    tpu.vector_store %arg5[%swap3A, %swap3A_10], %add3A_9 {strides = array<i32>} : memref<1024x128xf32, #tpu.memory_space<vmem>>, vector<1024x128xf32>,
    %get3A_12 = arith.constant 0 : index
    %get3A_13 = arith.constant 0 : index
    %get3A_14 = vector.load %arg4[%get3A_12, %get3A_13] : memref<128x128xf32, #tpu.memory_space<vmem>>, vector<128x128xf32>
    %dot_general3A_15 = arith.constant dense<0.000000e+00> : vector<1024x128xf32>
    %dot_general3A_16 = tpu.matmul %add3A_9, %get3A_14, %dot_general3A_15 {dimension_numbers = #tpu.dot_dimension_numbers<[1], [0], [0], [1], [0, 0, 1, 1], [], []>, transpose_lhs_hint = false} : vector<1024x128xf32>, vector<128x128xf32>, vector<1024x128xf32> -> vector<1024x128xf32>
    %swap3A_17 = arith.constant 0 : index
    %swap3A_18 = arith.constant 0 : index
    %swap3A_19 = vector.load %arg6[%swap3A_17, %swap3A_18] : memref<1024x128xf32, #tpu.memory_space<vmem>>, vector<1024x128xf32>
    tpu.vector_store %arg6[%swap3A_17, %swap3A_18], %dot_general3A_16 {strides = array<i32>} : memref<1024x128xf32, #tpu.memory_space<vmem>>, vector<1024x128xf32>,
    return
  }
  func.func @transform_0(%arg0: i32) -> (i32, i32) {
    %c0_i32 = arith.constant 0 : i32
    %c0_i32_0 = arith.constant 0 : i32
    return %arg0, %c0_i32 : i32, i32
  }
  func.func @transform_1(%arg0: i32) -> (i32, i32) {
    %c0_i32 = arith.constant 0 : i32
    %c0_i32_0 = arith.constant 0 : i32
    %c0_i32_1 = arith.constant 0 : i32
    return %c0_i32, %c0_i32_0 : i32, i32
  }
  func.func @transform_2(%arg0: i32) -> (i32, i32) {
    %c0_i32 = arith.constant 0 : i32
    %c0_i32_0 = arith.constant 0 : i32
    %c0_i32_1 = arith.constant 0 : i32
    return %c0_i32, %c0_i32_0 : i32, i32
  }
  func.func @transform_3(%arg0: i32) -> (i32, i32) {
    %c0_i32 = arith.constant 0 : i32
    %c0_i32_0 = arith.constant 0 : i32
    %c0_i32_1 = arith.constant 0 : i32
    return %c0_i32, %c0_i32_0 : i32, i32
  }
  func.func @transform_4(%arg0: i32) -> (i32, i32) {
    %c0_i32 = arith.constant 0 : i32
    %c0_i32_0 = arith.constant 0 : i32
    return %arg0, %c0_i32 : i32, i32
  }
  func.func @transform_5(%arg0: i32) -> (i32, i32) {
    %c0_i32 = arith.constant 0 : i32
    %c0_i32_0 = arith.constant 0 : i32
    return %arg0, %c0_i32 : i32, i32
  }
}

module attributes {stable_mosaic.version = 14 : i64} {
  func.func @_mid_body(%arg0: i32, %arg1: memref<1024x128xf32, #tpu.memory_space<vmem>>, %arg2: memref<1024x128xf32, #tpu.memory_space<vmem>>, %arg3: memref<1024x128xf32, #tpu.memory_space<vmem>>, %arg4: memref<128x128xf32, #tpu.memory_space<vmem>>, %arg5: memref<1x128xf32, #tpu.memory_space<vmem>>, %arg6: memref<1x1xf32, #tpu.memory_space<vmem>>, %arg7: memref<1024x128xf32, #tpu.memory_space<vmem>>, %arg8: memref<1024x128xf32, #tpu.memory_space<vmem>>) attributes {dimension_semantics = [#tpu.dimension_semantics<arbitrary>], iteration_bounds = array<i64: 10>, scalar_prefetch = 0 : i64, scratch_operands = 0 : i64, tpu.core_type = #tpu.core_type<tc>, window_params = [{transform_indices = @transform_0, window_bounds = array<i64: 1024, 128>}, {transform_indices = @transform_1, window_bounds = array<i64: 1024, 128>}, {transform_indices = @transform_2, window_bounds = array<i64: 1024, 128>}, {pipeline_mode = #tpu.pipeline_mode<synchronous>, transform_indices = @transform_3, window_bounds = array<i64: 128, 128>}, {pipeline_mode = #tpu.pipeline_mode<synchronous>, transform_indices = @transform_4, window_bounds = array<i64: 1, 128>}, {pipeline_mode = #tpu.pipeline_mode<synchronous>, transform_indices = @transform_5, window_bounds = array<i64: 1, 1>}, {transform_indices = @transform_6, window_bounds = array<i64: 1024, 128>}, {transform_indices = @transform_7, window_bounds = array<i64: 1024, 128>}]} {
    %get3A = arith.constant 0 : index
    %get3A_0 = arith.constant 0 : index
    %get3A_1 = vector.load %arg1[%get3A, %get3A_0] : memref<1024x128xf32, #tpu.memory_space<vmem>>, vector<1024x128xf32>
    %get3A_2 = arith.constant 0 : index
    %get3A_3 = arith.constant 0 : index
    %get3A_4 = vector.load %arg3[%get3A_2, %get3A_3] : memref<1024x128xf32, #tpu.memory_space<vmem>>, vector<1024x128xf32>
    %get3A_5 = arith.constant 0 : index
    %get3A_6 = arith.constant 0 : index
    %get3A_7 = vector.load %arg5[%get3A_5, %get3A_6] : memref<1x128xf32, #tpu.memory_space<vmem>>, vector<1x128xf32>
    %mul3A = vector.broadcast %get3A_7 : vector<1x128xf32> to vector<1024x128xf32>
    %mul3A_8 = arith.mulf %get3A_1, %mul3A : vector<1024x128xf32>
    %sub3A = arith.subf %get3A_4, %mul3A_8 : vector<1024x128xf32>
    %get3A_9 = arith.constant 0 : index
    %get3A_10 = arith.constant 0 : index
    %get3A_11 = vector.load %arg6[%get3A_9, %get3A_10] : memref<1x1xf32, #tpu.memory_space<vmem>>, vector<1x1xf32>
    %get3A_12 = vector.extract %get3A_11[0, 0] : f32 from vector<1x1xf32>
    %get3A_13 = arith.constant 0 : index
    %get3A_14 = arith.constant 0 : index
    %get3A_15 = vector.load %arg2[%get3A_13, %get3A_14] : memref<1024x128xf32, #tpu.memory_space<vmem>>, vector<1024x128xf32>
    %mul3A_16 = vector.broadcast %get3A_12 : f32 to vector<1024x128xf32>
    %mul3A_17 = arith.mulf %mul3A_16, %get3A_15 : vector<1024x128xf32>
    %sub3A_18 = arith.subf %sub3A, %mul3A_17 : vector<1024x128xf32>
    %max3A = arith.constant 0.000000e+00 : f32
    %max3A_19 = vector.broadcast %max3A : f32 to vector<1024x128xf32>
    %max3A_20 = arith.maximumf %sub3A_18, %max3A_19 : vector<1024x128xf32>
    %add3A = arith.addf %get3A_1, %max3A_20 : vector<1024x128xf32>
    %swap3A = arith.constant 0 : index
    %swap3A_21 = arith.constant 0 : index
    %swap3A_22 = vector.load %arg7[%swap3A, %swap3A_21] : memref<1024x128xf32, #tpu.memory_space<vmem>>, vector<1024x128xf32>
    tpu.vector_store %arg7[%swap3A, %swap3A_21], %add3A {strides = array<i32>} : memref<1024x128xf32, #tpu.memory_space<vmem>>, vector<1024x128xf32>,
    %get3A_23 = arith.constant 0 : index
    %get3A_24 = arith.constant 0 : index
    %get3A_25 = vector.load %arg4[%get3A_23, %get3A_24] : memref<128x128xf32, #tpu.memory_space<vmem>>, vector<128x128xf32>
    %dot_general3A = arith.constant dense<0.000000e+00> : vector<1024x128xf32>
    %dot_general3A_26 = tpu.matmul %add3A, %get3A_25, %dot_general3A {dimension_numbers = #tpu.dot_dimension_numbers<[1], [0], [0], [1], [0, 0, 1, 1], [], []>, transpose_lhs_hint = false} : vector<1024x128xf32>, vector<128x128xf32>, vector<1024x128xf32> -> vector<1024x128xf32>
    %swap3A_27 = arith.constant 0 : index
    %swap3A_28 = arith.constant 0 : index
    %swap3A_29 = vector.load %arg8[%swap3A_27, %swap3A_28] : memref<1024x128xf32, #tpu.memory_space<vmem>>, vector<1024x128xf32>
    tpu.vector_store %arg8[%swap3A_27, %swap3A_28], %dot_general3A_26 {strides = array<i32>} : memref<1024x128xf32, #tpu.memory_space<vmem>>, vector<1024x128xf32>,
    return
  }
  func.func @transform_0(%arg0: i32) -> (i32, i32) {
    %c0_i32 = arith.constant 0 : i32
    %c0_i32_0 = arith.constant 0 : i32
    return %arg0, %c0_i32 : i32, i32
  }
  func.func @transform_1(%arg0: i32) -> (i32, i32) {
    %c0_i32 = arith.constant 0 : i32
    %c0_i32_0 = arith.constant 0 : i32
    return %arg0, %c0_i32 : i32, i32
  }
  func.func @transform_2(%arg0: i32) -> (i32, i32) {
    %c0_i32 = arith.constant 0 : i32
    %c0_i32_0 = arith.constant 0 : i32
    return %arg0, %c0_i32 : i32, i32
  }
  func.func @transform_3(%arg0: i32) -> (i32, i32) {
    %c0_i32 = arith.constant 0 : i32
    %c0_i32_0 = arith.constant 0 : i32
    %c0_i32_1 = arith.constant 0 : i32
    return %c0_i32, %c0_i32_0 : i32, i32
  }
  func.func @transform_4(%arg0: i32) -> (i32, i32) {
    %c0_i32 = arith.constant 0 : i32
    %c0_i32_0 = arith.constant 0 : i32
    %c0_i32_1 = arith.constant 0 : i32
    return %c0_i32, %c0_i32_0 : i32, i32
  }
  func.func @transform_5(%arg0: i32) -> (i32, i32) {
    %c0_i32 = arith.constant 0 : i32
    %c0_i32_0 = arith.constant 0 : i32
    %c0_i32_1 = arith.constant 0 : i32
    return %c0_i32, %c0_i32_0 : i32, i32
  }
  func.func @transform_6(%arg0: i32) -> (i32, i32) {
    %c0_i32 = arith.constant 0 : i32
    %c0_i32_0 = arith.constant 0 : i32
    return %arg0, %c0_i32 : i32, i32
  }
  func.func @transform_7(%arg0: i32) -> (i32, i32) {
    %c0_i32 = arith.constant 0 : i32
    %c0_i32_0 = arith.constant 0 : i32
    return %arg0, %c0_i32 : i32, i32
  }
}

module attributes {stable_mosaic.version = 14 : i64} {
  func.func @_mid_body(%arg0: i32, %arg1: memref<1024x128xf32, #tpu.memory_space<vmem>>, %arg2: memref<1024x128xf32, #tpu.memory_space<vmem>>, %arg3: memref<1024x128xf32, #tpu.memory_space<vmem>>, %arg4: memref<128x128xf32, #tpu.memory_space<vmem>>, %arg5: memref<1x128xf32, #tpu.memory_space<vmem>>, %arg6: memref<1x1xf32, #tpu.memory_space<vmem>>, %arg7: memref<1024x128xf32, #tpu.memory_space<vmem>>, %arg8: memref<1024x128xf32, #tpu.memory_space<vmem>>) attributes {dimension_semantics = [#tpu.dimension_semantics<arbitrary>], iteration_bounds = array<i64: 10>, scalar_prefetch = 0 : i64, scratch_operands = 0 : i64, tpu.core_type = #tpu.core_type<tc>, window_params = [{transform_indices = @transform_0, window_bounds = array<i64: 1024, 128>}, {transform_indices = @transform_1, window_bounds = array<i64: 1024, 128>}, {transform_indices = @transform_2, window_bounds = array<i64: 1024, 128>}, {pipeline_mode = #tpu.pipeline_mode<synchronous>, transform_indices = @transform_3, window_bounds = array<i64: 128, 128>}, {pipeline_mode = #tpu.pipeline_mode<synchronous>, transform_indices = @transform_4, window_bounds = array<i64: 1, 128>}, {pipeline_mode = #tpu.pipeline_mode<synchronous>, transform_indices = @transform_5, window_bounds = array<i64: 1, 1>}, {transform_indices = @transform_6, window_bounds = array<i64: 1024, 128>}, {transform_indices = @transform_7, window_bounds = array<i64: 1024, 128>}]} {
    %get3A = arith.constant 0 : index
    %get3A_0 = arith.constant 0 : index
    %get3A_1 = vector.load %arg1[%get3A, %get3A_0] : memref<1024x128xf32, #tpu.memory_space<vmem>>, vector<1024x128xf32>
    %get3A_2 = arith.constant 0 : index
    %get3A_3 = arith.constant 0 : index
    %get3A_4 = vector.load %arg3[%get3A_2, %get3A_3] : memref<1024x128xf32, #tpu.memory_space<vmem>>, vector<1024x128xf32>
    %get3A_5 = arith.constant 0 : index
    %get3A_6 = arith.constant 0 : index
    %get3A_7 = vector.load %arg5[%get3A_5, %get3A_6] : memref<1x128xf32, #tpu.memory_space<vmem>>, vector<1x128xf32>
    %mul3A = vector.broadcast %get3A_7 : vector<1x128xf32> to vector<1024x128xf32>
    %mul3A_8 = arith.mulf %get3A_1, %mul3A : vector<1024x128xf32>
    %sub3A = arith.subf %get3A_4, %mul3A_8 : vector<1024x128xf32>
    %get3A_9 = arith.constant 0 : index
    %get3A_10 = arith.constant 0 : index
    %get3A_11 = vector.load %arg6[%get3A_9, %get3A_10] : memref<1x1xf32, #tpu.memory_space<vmem>>, vector<1x1xf32>
    %get3A_12 = vector.extract %get3A_11[0, 0] : f32 from vector<1x1xf32>
    %get3A_13 = arith.constant 0 : index
    %get3A_14 = arith.constant 0 : index
    %get3A_15 = vector.load %arg2[%get3A_13, %get3A_14] : memref<1024x128xf32, #tpu.memory_space<vmem>>, vector<1024x128xf32>
    %mul3A_16 = vector.broadcast %get3A_12 : f32 to vector<1024x128xf32>
    %mul3A_17 = arith.mulf %mul3A_16, %get3A_15 : vector<1024x128xf32>
    %sub3A_18 = arith.subf %sub3A, %mul3A_17 : vector<1024x128xf32>
    %max3A = arith.constant 0.000000e+00 : f32
    %max3A_19 = vector.broadcast %max3A : f32 to vector<1024x128xf32>
    %max3A_20 = arith.maximumf %sub3A_18, %max3A_19 : vector<1024x128xf32>
    %add3A = arith.addf %get3A_1, %max3A_20 : vector<1024x128xf32>
    %swap3A = arith.constant 0 : index
    %swap3A_21 = arith.constant 0 : index
    %swap3A_22 = vector.load %arg7[%swap3A, %swap3A_21] : memref<1024x128xf32, #tpu.memory_space<vmem>>, vector<1024x128xf32>
    tpu.vector_store %arg7[%swap3A, %swap3A_21], %add3A {strides = array<i32>} : memref<1024x128xf32, #tpu.memory_space<vmem>>, vector<1024x128xf32>,
    %get3A_23 = arith.constant 0 : index
    %get3A_24 = arith.constant 0 : index
    %get3A_25 = vector.load %arg4[%get3A_23, %get3A_24] : memref<128x128xf32, #tpu.memory_space<vmem>>, vector<128x128xf32>
    %dot_general3A = arith.constant dense<0.000000e+00> : vector<1024x128xf32>
    %dot_general3A_26 = tpu.matmul %add3A, %get3A_25, %dot_general3A {dimension_numbers = #tpu.dot_dimension_numbers<[1], [0], [0], [1], [0, 0, 1, 1], [], []>, transpose_lhs_hint = false} : vector<1024x128xf32>, vector<128x128xf32>, vector<1024x128xf32> -> vector<1024x128xf32>
    %swap3A_27 = arith.constant 0 : index
    %swap3A_28 = arith.constant 0 : index
    %swap3A_29 = vector.load %arg8[%swap3A_27, %swap3A_28] : memref<1024x128xf32, #tpu.memory_space<vmem>>, vector<1024x128xf32>
    tpu.vector_store %arg8[%swap3A_27, %swap3A_28], %dot_general3A_26 {strides = array<i32>} : memref<1024x128xf32, #tpu.memory_space<vmem>>, vector<1024x128xf32>,
    return
  }
  func.func @transform_0(%arg0: i32) -> (i32, i32) {
    %c0_i32 = arith.constant 0 : i32
    %c0_i32_0 = arith.constant 0 : i32
    return %arg0, %c0_i32 : i32, i32
  }
  func.func @transform_1(%arg0: i32) -> (i32, i32) {
    %c0_i32 = arith.constant 0 : i32
    %c0_i32_0 = arith.constant 0 : i32
    return %arg0, %c0_i32 : i32, i32
  }
  func.func @transform_2(%arg0: i32) -> (i32, i32) {
    %c0_i32 = arith.constant 0 : i32
    %c0_i32_0 = arith.constant 0 : i32
    return %arg0, %c0_i32 : i32, i32
  }
  func.func @transform_3(%arg0: i32) -> (i32, i32) {
    %c0_i32 = arith.constant 0 : i32
    %c0_i32_0 = arith.constant 0 : i32
    %c0_i32_1 = arith.constant 0 : i32
    return %c0_i32, %c0_i32_0 : i32, i32
  }
  func.func @transform_4(%arg0: i32) -> (i32, i32) {
    %c0_i32 = arith.constant 0 : i32
    %c0_i32_0 = arith.constant 0 : i32
    %c0_i32_1 = arith.constant 0 : i32
    return %c0_i32, %c0_i32_0 : i32, i32
  }
  func.func @transform_5(%arg0: i32) -> (i32, i32) {
    %c0_i32 = arith.constant 0 : i32
    %c0_i32_0 = arith.constant 0 : i32
    %c0_i32_1 = arith.constant 0 : i32
    return %c0_i32, %c0_i32_0 : i32, i32
  }
  func.func @transform_6(%arg0: i32) -> (i32, i32) {
    %c0_i32 = arith.constant 0 : i32
    %c0_i32_0 = arith.constant 0 : i32
    return %arg0, %c0_i32 : i32, i32
  }
  func.func @transform_7(%arg0: i32) -> (i32, i32) {
    %c0_i32 = arith.constant 0 : i32
    %c0_i32_0 = arith.constant 0 : i32
    return %arg0, %c0_i32 : i32, i32
  }
}

module attributes {stable_mosaic.version = 14 : i64} {
  func.func @_dec_body(%arg0: i32, %arg1: memref<1024x128xf32, #tpu.memory_space<vmem>>, %arg2: memref<1024x128xf32, #tpu.memory_space<vmem>>, %arg3: memref<1024x128xf32, #tpu.memory_space<vmem>>, %arg4: memref<1x128xf32, #tpu.memory_space<vmem>>, %arg5: memref<1x1xf32, #tpu.memory_space<vmem>>, %arg6: memref<128x128xf32, #tpu.memory_space<vmem>>, %arg7: memref<1x128xf32, #tpu.memory_space<vmem>>, %arg8: memref<1024x128xf32, #tpu.memory_space<vmem>>) attributes {dimension_semantics = [#tpu.dimension_semantics<arbitrary>], iteration_bounds = array<i64: 10>, scalar_prefetch = 0 : i64, scratch_operands = 0 : i64, tpu.core_type = #tpu.core_type<tc>, window_params = [{transform_indices = @transform_0, window_bounds = array<i64: 1024, 128>}, {transform_indices = @transform_1, window_bounds = array<i64: 1024, 128>}, {transform_indices = @transform_2, window_bounds = array<i64: 1024, 128>}, {pipeline_mode = #tpu.pipeline_mode<synchronous>, transform_indices = @transform_3, window_bounds = array<i64: 1, 128>}, {pipeline_mode = #tpu.pipeline_mode<synchronous>, transform_indices = @transform_4, window_bounds = array<i64: 1, 1>}, {pipeline_mode = #tpu.pipeline_mode<synchronous>, transform_indices = @transform_5, window_bounds = array<i64: 128, 128>}, {pipeline_mode = #tpu.pipeline_mode<synchronous>, transform_indices = @transform_6, window_bounds = array<i64: 1, 128>}, {transform_indices = @transform_7, window_bounds = array<i64: 1024, 128>}]} {
    %get3A = arith.constant 0 : index
    %get3A_0 = arith.constant 0 : index
    %get3A_1 = vector.load %arg1[%get3A, %get3A_0] : memref<1024x128xf32, #tpu.memory_space<vmem>>, vector<1024x128xf32>
    %get3A_2 = arith.constant 0 : index
    %get3A_3 = arith.constant 0 : index
    %get3A_4 = vector.load %arg3[%get3A_2, %get3A_3] : memref<1024x128xf32, #tpu.memory_space<vmem>>, vector<1024x128xf32>
    %get3A_5 = arith.constant 0 : index
    %get3A_6 = arith.constant 0 : index
    %get3A_7 = vector.load %arg4[%get3A_5, %get3A_6] : memref<1x128xf32, #tpu.memory_space<vmem>>, vector<1x128xf32>
    %mul3A = vector.broadcast %get3A_7 : vector<1x128xf32> to vector<1024x128xf32>
    %mul3A_8 = arith.mulf %get3A_1, %mul3A : vector<1024x128xf32>
    %sub3A = arith.subf %get3A_4, %mul3A_8 : vector<1024x128xf32>
    %get3A_9 = arith.constant 0 : index
    %get3A_10 = arith.constant 0 : index
    %get3A_11 = vector.load %arg5[%get3A_9, %get3A_10] : memref<1x1xf32, #tpu.memory_space<vmem>>, vector<1x1xf32>
    %get3A_12 = vector.extract %get3A_11[0, 0] : f32 from vector<1x1xf32>
    %get3A_13 = arith.constant 0 : index
    %get3A_14 = arith.constant 0 : index
    %get3A_15 = vector.load %arg2[%get3A_13, %get3A_14] : memref<1024x128xf32, #tpu.memory_space<vmem>>, vector<1024x128xf32>
    %mul3A_16 = vector.broadcast %get3A_12 : f32 to vector<1024x128xf32>
    %mul3A_17 = arith.mulf %mul3A_16, %get3A_15 : vector<1024x128xf32>
    %sub3A_18 = arith.subf %sub3A, %mul3A_17 : vector<1024x128xf32>
    %max3A = arith.constant 0.000000e+00 : f32
    %max3A_19 = vector.broadcast %max3A : f32 to vector<1024x128xf32>
    %max3A_20 = arith.maximumf %sub3A_18, %max3A_19 : vector<1024x128xf32>
    %add3A = arith.addf %get3A_1, %max3A_20 : vector<1024x128xf32>
    %get3A_21 = arith.constant 0 : index
    %get3A_22 = arith.constant 0 : index
    %get3A_23 = vector.load %arg6[%get3A_21, %get3A_22] : memref<128x128xf32, #tpu.memory_space<vmem>>, vector<128x128xf32>
    %dot_general3A = arith.constant dense<0.000000e+00> : vector<1024x128xf32>
    %dot_general3A_24 = tpu.matmul %add3A, %get3A_23, %dot_general3A {dimension_numbers = #tpu.dot_dimension_numbers<[1], [0], [0], [1], [0, 0, 1, 1], [], []>, transpose_lhs_hint = false} : vector<1024x128xf32>, vector<128x128xf32>, vector<1024x128xf32> -> vector<1024x128xf32>
    %get3A_25 = arith.constant 0 : index
    %get3A_26 = arith.constant 0 : index
    %get3A_27 = vector.load %arg7[%get3A_25, %get3A_26] : memref<1x128xf32, #tpu.memory_space<vmem>>, vector<1x128xf32>
    %add3A_28 = vector.broadcast %get3A_27 : vector<1x128xf32> to vector<1024x128xf32>
    %add3A_29 = arith.addf %dot_general3A_24, %add3A_28 : vector<1024x128xf32>
    %swap3A = arith.constant 0 : index
    %swap3A_30 = arith.constant 0 : index
    %swap3A_31 = vector.load %arg8[%swap3A, %swap3A_30] : memref<1024x128xf32, #tpu.memory_space<vmem>>, vector<1024x128xf32>
    tpu.vector_store %arg8[%swap3A, %swap3A_30], %add3A_29 {strides = array<i32>} : memref<1024x128xf32, #tpu.memory_space<vmem>>, vector<1024x128xf32>,
    return
  }
  func.func @transform_0(%arg0: i32) -> (i32, i32) {
    %c0_i32 = arith.constant 0 : i32
    %c0_i32_0 = arith.constant 0 : i32
    return %arg0, %c0_i32 : i32, i32
  }
  func.func @transform_1(%arg0: i32) -> (i32, i32) {
    %c0_i32 = arith.constant 0 : i32
    %c0_i32_0 = arith.constant 0 : i32
    return %arg0, %c0_i32 : i32, i32
  }
  func.func @transform_2(%arg0: i32) -> (i32, i32) {
    %c0_i32 = arith.constant 0 : i32
    %c0_i32_0 = arith.constant 0 : i32
    return %arg0, %c0_i32 : i32, i32
  }
  func.func @transform_3(%arg0: i32) -> (i32, i32) {
    %c0_i32 = arith.constant 0 : i32
    %c0_i32_0 = arith.constant 0 : i32
    %c0_i32_1 = arith.constant 0 : i32
    return %c0_i32, %c0_i32_0 : i32, i32
  }
  func.func @transform_4(%arg0: i32) -> (i32, i32) {
    %c0_i32 = arith.constant 0 : i32
    %c0_i32_0 = arith.constant 0 : i32
    %c0_i32_1 = arith.constant 0 : i32
    return %c0_i32, %c0_i32_0 : i32, i32
  }
  func.func @transform_5(%arg0: i32) -> (i32, i32) {
    %c0_i32 = arith.constant 0 : i32
    %c0_i32_0 = arith.constant 0 : i32
    %c0_i32_1 = arith.constant 0 : i32
    return %c0_i32, %c0_i32_0 : i32, i32
  }
  func.func @transform_6(%arg0: i32) -> (i32, i32) {
    %c0_i32 = arith.constant 0 : i32
    %c0_i32_0 = arith.constant 0 : i32
    %c0_i32_1 = arith.constant 0 : i32
    return %c0_i32, %c0_i32_0 : i32, i32
  }
  func.func @transform_7(%arg0: i32) -> (i32, i32) {
    %c0_i32 = arith.constant 0 : i32
    %c0_i32_0 = arith.constant 0 : i32
    return %arg0, %c0_i32 : i32, i32
  }
}

</mosaic_0001>

<sc_bundles>
// kernel: kernel.12.cloned.1.call-start
scs
__scs_entry_jumppad:
0x0: {  	(pc) =	sbr.rel $0x88, $3  }
0x1: {  	(tag) =	ssettag $0x0;
	lr =	simm.s32 $0x1  }
0x2: {  	[smem:$0x3F98] =	sst lr;
	_ =	strace $0xD0000000  }
0x3: {  	_ = 	snop  }
0x4: {  	_ = 	snop  }
0x5: {  	_ = 	snop  }
0x6: {  	_ = 	snop  }
0x7: {  	_ = 	snop  }
__scs_overlays_trampoline_lowered:
0x8: {  	[smem:$0x3FA7] =	sst s0  }
0x9: {  	[smem:$0x3FA8] =	sst s1  }
0xa: {  	[smem:$0x3FA9] =	sst s2  }
0xb: {  	[smem:$0x3FAA] =	sst s3  }
0xc: {  	[smem:$0x3FAB] =	sst s4  }
0xd: {  	[smem:$0x3FAC] =	sst s5  }
0xe: {  	[smem:$0x3FAD] =	sst s6  }
0xf: {  	[smem:$0x3FAE] =	sst s7  }
0x10: {  	[smem:$0x3FAF] =	sst s8  }
0x11: {  	[smem:$0x3FB0] =	sst s9;
	s0 =	simm.s32 @!p0 $0x0  }
0x12: {  	s1 =	sld [smem:$0x3F96];
	s0 =	simm.s32 @p0 $0x1  }
0x13: {  	[smem:$0x3FB1] =	sst s0;
	s0 =	simm.s32 @!p1 $0x0  }
0x14: {  	s2 =	sld [smem:$0x3F95];
	s0 =	simm.s32 @p1 $0x1  }
0x15: {  	[smem:$0x3FB2] =	sst s0;
	s0 =	simm.s32 @!p2 $0x0  }
0x16: {  	s3 =	sld [smem:$0x3FDB];
	s0 =	simm.s32 @p2 $0x1  }
0x17: {  	s4 =	simm.s32 $0x1BF5;
	[smem:$0x3FB4] =	sst s0  }
0x18: {  	s0 =	sld [smem:$0x3F97];
	_ =	swait.ge [sflag:s4], $0x0  }
0x19: {  	s7 =	sld [smem:$0x3F98]  }
0x1a: {  	s8 =	sadd.s32 $0xFFFFE003, lr  }
0x1b: {  	s9 =	sadd.s32 $0xFFFFFEF7, lr;
	s5 =	simm.s32 $0xFFFFFFFF;
	p2 =	slt.u32 s8, $0xFFFFF086  }
0x1c: {  	p1 =	slt.u32 s9, $0xF7A;
	s5 =	simm.s32 @!p2 $0x0  }
0x1d: {  	s5 =	simm.s32 @p1 $0x1;
	p0 =	seq.s32 s7, s2  }
0x1e: {  	s7 =	smul.u32 @!p0 $0xF7A, s2;
	p2 =	seq.s32 @!p0 s5, $0x0  }
0x1f: {  	s9 =	smul.u32 $0xF7A, s1;
	s8 =	simm.s32 @!p0 $0x1BF5;
	p2 =	por !p2, p0  }
0x20: {  	[sflag:s8] =	ssyncset.s32 @!p0 $0xFFFFF086;
	s6 =	sadd.s32 @!p0 s3, s7;
	s7 =	simm.s32 @!p0 $0x108  }
0x21: {  	s3 =	sadd.s32 s3, s9;
	s6 =	sadd.s32 @!p0 $0x88, s6;
	s7 =	simm.s32 @p2 $0x1082  }
0x22: {  	[simem:s7], [sflag:s8] =	dma.local @!p0 [hbm:s6], $0xF7A  }
0x23: {  	s9 =	sor.u32 $0xD0000000, s2;
	s6 =	simm.s32 $0x108;
	_ =	swait.ge @!p0 [sflag:s8], $0x0  }
0x24: {  	s3 =	sadd.s32 $0x88, s3;
	s6 =	simm.s32 @!p1 $0x1082;
	[sflag:s4] =	ssyncset.s32 $0xFFFFF086  }
0x25: {  	[simem:s6], [sflag:s4] =	dma.local [hbm:s3], $0xF7A  }
0x26: {  	[smem:$0x3F98] =	sst s1;
	(tag) =	ssettag s2;
	_ =	strace s9  }
0x27: {  	s1 =	sld [smem:$0x3FA8]  }
0x28: {  	s2 =	sld [smem:$0x3FA9]  }
0x29: {  	s4 =	sld [smem:$0x3FAB]  }
0x2a: {  	p0 =	seq.s32 s5, $0x0;
	s5 =	sld [smem:$0x3FAC]  }
0x2b: {  	s6 =	sld [smem:$0x3FAD]  }
0x2c: {  	s7 =	sld [smem:$0x3FAE]  }
0x2d: {  	s3 =	simm.s32 $0x108;
	s8 =	sld [smem:$0x3FAF]  }
0x2e: {  	s3 =	simm.s32 @!p0 $0x1082;
	s9 =	sld [smem:$0x3FB0]  }
0x2f: {  	lr =	sadd.s32 s0, s3;
	s0 =	sld [smem:$0x3FA7]  }
0x30: {  	s3 =	sld [smem:$0x3FAA]  }
0x31: {  	[smem:$0x3FB3] =	sst s10  }
0x32: {  	s10 =	sld [smem:$0x3FB1];
	_ =	sdelay $0x3  }
0x33: {  	p0 =	seq.s32 s10, $0x1;
	s10 =	sld [smem:$0x3FB3];
	_ =	sdelay $0x3  }
0x34: {  	[smem:$0x3FB3] =	sst s10  }
0x35: {  	s10 =	sld [smem:$0x3FB2];
	_ =	sdelay $0x3  }
0x36: {  	p1 =	seq.s32 s10, $0x1;
	s10 =	sld [smem:$0x3FB3];
	_ =	sdelay $0x3  }
0x37: {  	[smem:$0x3FB3] =	sst s10  }
0x38: {  	s10 =	sld [smem:$0x3FB4]  }
0x39: {  	_ = 	snop;
	(pc) =	sbr.ind lr, $3  }
0x3a: {  	_ = 	snop  }
0x3b: {  	_ = 	snop  }
0x3c: {  	p2 =	seq.s32 s10, $0x1;
	s10 =	sld [smem:$0x3FB3]  }
0x3d: {  	_ =	shalt  }
0x3e: {  	_ =	shalt  }
0x3f: {  	_ =	shalt  }
0x40: {  	_ =	shalt  }
0x41: {  	_ =	shalt  }
0x42: {  	_ =	shalt  }
0x43: {  	_ =	shalt  }
0x44: {  	_ =	shalt  }
0x45: {  	_ =	shalt  }
0x46: {  	_ =	shalt  }
0x47: {  	_ =	shalt  }
0x48: {  	_ =	shalt  }
0x49: {  	_ =	shalt  }
0x4a: {  	_ =	shalt  }
0x4b: {  	_ =	shalt  }
0x4c: {  	_ =	shalt  }
0x4d: {  	_ =	shalt  }
0x4e: {  	_ =	shalt  }
0x4f: {  	_ =	shalt  }
0x50: {  	_ =	shalt  }
0x51: {  	_ =	shalt  }
0x52: {  	_ =	shalt  }
0x53: {  	_ =	shalt  }
0x54: {  	_ =	shalt  }
0x55: {  	_ =	shalt  }
0x56: {  	_ =	shalt  }
0x57: {  	_ =	shalt  }
0x58: {  	_ =	shalt  }
0x59: {  	_ =	shalt  }
0x5a: {  	_ =	shalt  }
0x5b: {  	_ =	shalt  }
0x5c: {  	_ =	shalt  }
0x5d: {  	_ =	shalt  }
0x5e: {  	_ =	shalt  }
0x5f: {  	_ =	shalt  }
0x60: {  	_ =	shalt  }
0x61: {  	_ =	shalt  }
0x62: {  	_ =	shalt  }
0x63: {  	_ =	shalt  }
0x64: {  	_ =	shalt  }
0x65: {  	_ =	shalt  }
0x66: {  	_ =	shalt  }
0x67: {  	_ =	shalt  }
0x68: {  	_ =	shalt  }
0x69: {  	_ =	shalt  }
0x6a: {  	_ =	shalt  }
0x6b: {  	_ =	shalt  }
0x6c: {  	_ =	shalt  }
0x6d: {  	_ =	shalt  }
0x6e: {  	_ =	shalt  }
0x6f: {  	_ =	shalt  }
0x70: {  	_ =	shalt  }
0x71: {  	_ =	shalt  }
0x72: {  	_ =	shalt  }
0x73: {  	_ =	shalt  }
0x74: {  	_ =	shalt  }
0x75: {  	_ =	shalt  }
0x76: {  	_ =	shalt  }
0x77: {  	_ =	shalt  }
0x78: {  	_ =	shalt  }
0x79: {  	_ =	shalt  }
0x7a: {  	_ =	shalt  }
0x7b: {  	_ =	shalt  }
0x7c: {  	_ =	shalt  }
0x7d: {  	_ =	shalt  }
0x7e: {  	_ =	shalt  }
0x7f: {  	_ =	shalt  }
0x80: {  	_ =	shalt  }
0x81: {  	_ =	shalt  }
0x82: {  	_ =	shalt  }
0x83: {  	_ =	shalt  }
0x84: {  	_ =	shalt  }
0x85: {  	_ =	shalt  }
0x86: {  	_ =	shalt  }
0x87: {  	_ =	shalt  }
.Lfunc_end0:
.L_simem_size_0:
called_computation.1_lowered:
.L_overlay_start_0:
0x88: {  	s2 =	sld [smem:$0x3FD9]  }
0x89: {  	s3 =	sld [smem:$0x3FFE];
	_ =	sdelay $0x1  }
0x8a: {  	s1 =	srdreg.scid  }
0x8b: {  	s0 =	sand.u32 $0x1, s1  }
0x8c: {  	s17 =	sshll.u32 s0, $0xA;
	s2 =	sadd.s32 s3, s2  }
0x8d: {  	s2 =	sadd.s32 s2, s17  }
0x8e: {  	[smem:$0x3FBF] =	sst s2  }
0x8f: {  	_ = 	snop  }
0x90: {  	s2 =	sld [smem:$0x3FD0];
	(tm) =	ssettm $0x1  }
0x91: {  	s18 =	sld [smem:$0x3FFB];
	_ =	sdelay $0x3  }
0x92: {  	_ =	strace s18  }
0x93: {  	s3 =	sld [smem:$0x3FFC];
	_ =	sdelay $0x3  }
0x94: {  	_ =	strace s3  }
0x95: {  	s3 =	sld [smem:$0x3FFD];
	_ =	sdelay $0x3  }
0x96: {  	_ =	strace s3  }
0x97: {  	_ =	strace $0x8FFFFFFF  }
0x98: {  	s19 =	sld [smem:$0x3FDB];
	_ =	sdelay $0x1  }
0x99: {  	s4 =	simm.s32 $_scs_section_size  }
0x9a: {  	s5 =	simm.s32 $_size__tile_overlayer_lowered;
	s6 =	simm.s32 $_tile_overlayer_lowered  }
0x9b: {  	s22 =	simm.s32 $0x1BFF;
	s21 =	sshll.u32 s6, $0x1;
	s3 =	sadd.s32 s4, s19  }
0x9c: {  	s7 =	simm.s32 $0x0;
	s20 =	sshll.u32 s5, $0x1;
	s5 =	sadd.s32 s21, s3  }
0x9d: {  	[timem:s7], [sflag:s22] =	dma.local [hbm:s5], s20  }
0x9e: {  	_ =	swait.ge [sflag:s22], s20  }
0x9f: {  	s4 =	ssub.s32 $0x0, s20;
	[sflag:s22] =	ssyncset.done $0x0  }
0xa0: {  	[sflag:s22] =	ssyncadd.s32 s4;
	_ =	sdelay $0x1  }
0xa1: {  	s23 =	simm.s32 $0x1B8B  }
0xa2: {  	_ =	swait.ge [sflag:s23], $0x1  }
0xa3: {  	[sflag:s23] =	ssyncset.done $0x0  }
0xa4: {  	s25 =	simm.s32 $0x1B8E;
	s24 =	sld [smem:$0x3FFE];
	[sflag:s23] =	ssyncadd.s32 $0xFFFFFFFF  }
0xa5: {  	s26 =	simm.s32 $execute0_lowered;
	[smem:$0x3FD2] =	sst s25  }
0xa6: {  	s5 =	sshll.u32 s26, $0x1;
	_ =	strace $0x80000049;
	[dreg:$0x1] =	wrdreg $0xFFFFFFFF  }
0xa7: {  	s28 =	simm.s32 $_size_execute0_lowered;
	s3 =	sadd.s32 s3, s5;
	[dreg:$0x0] =	wrdreg $0x0  }
0xa8: {  	s5 =	sshll.u32 s28, $0x1;
	[dreg:$0x2] =	wrdreg s3  }
0xa9: {  	[dreg:$0x3] =	wrdreg s5  }
0xaa: {  	[dreg:$0x4] =	wrdreg $0xC0  }
0xab: {  	_ =	task [dreg:s7], $0x5FFFF  }
0xac: {  	[dreg:$0x1] =	wrdreg $0xFFFFFFFF  }
0xad: {  	[dreg:$0x0] =	wrdreg $0x60  }
0xae: {  	[dreg:$0x2] =	wrdreg s24  }
0xaf: {  	[dreg:$0x3] =	wrdreg s2  }
0xb0: {  	[dreg:$0x4] =	wrdreg $0x120000  }
0xb1: {  	[dreg:$0x5] =	wrdreg $0x9  }
0xb2: {  	_ =	task.clear_ibuf [dreg:s7], $0x6FFFF;
	_ =	strace $0x90000049  }
0xb3: {  	s29 =	simm.s32 $0x9;
	_ =	strace $0x8000004B  }
0xb4: {  	_ =	swait.ge [sflag:s29], $0x1  }
0xb5: {  	[sflag:s29] =	ssyncadd.s32 $0xFFFFFFFF  }
0xb6: {  	_ =	strace $0x9000004B  }
0xb7: {  	_ =	sfence  }
0xb8: {  	s30 =	sld [smem:$0x0];
	_ =	sdelay $0x2  }
0xb9: {  	s31 =	sshll.u32 s1, $0xD;
	s1 =	sshrl.u32 s1, $0x2  }
0xba: {  	s3 =	sand.u32 $0x4000, s31;
	s1 =	sadd.s32 s1, s30  }
0xbb: {  	s0 =	sor.u32 s3, s0;
	s1 =	sshll.u32 s1, $0x11  }
0xbc: {  	s0 =	sor.u32 s1, s0  }
0xbd: {  	s0 =	sadd.s32 $0x8F2B, s0  }
0xbe: {  	[sflag:s0] =	ssyncadd.remote.s32 $0x1  }
0xbf: {  	_ =	sfence.sel $0xFFFF  }
0xc0: {  	[dreg:$0x0] =	wrdreg $0xFFFFFFFF;
	(pc) =	sbr.abs _section_cstart, $3  }
0xc1: {  	[dreg:$0x1] =	wrdreg $0xFFFFFFFF  }
0xc2: {  	_ =	task.clear_ibuf [dreg:s7], $0x2FFFF;
	_ =	strace $0x9FFFFFFF  }
0xc3: {  	(tm) =	ssettm $0x7FFFFFFF  }
tec
execute0_lowered:
.L_overlay_start_1:
0x0: {  	(tag) =	ssettag $0x1  }
0x1: {  	s6 =	rddreg [dreg:$0x0]  }
0x2: {  	s0 =	srdreg.scid;
	s2 =	rddreg [dreg:$0x1]  }
0x3: {  	s3 =	rddreg [dreg:$0x2];
	s1 =	stileid.u32  }
0x4: {  	s4 =	simm.s32 $0x0;
	s15 =	simm.s32 $0x3;
	s16 =	simm.s32 $0x80  }
0x5: {  	s17 =	simm.s32 $0xC000;
	s18 =	simm.s32 $0xE000;
	s19 =	simm.s32 $0x10000  }
0x6: {  	s20 =	simm.s32 $0x1;
	s21 =	simm.s32 $0x2;
	s24 =	simm.s32 $0x10  }
0x7: {  	s25 =	simm.s32 $0x8;
	s7 =	sand.u32 $0x1, s0;
	s0 =	rddreg [dreg:$0x3]  }
0x8: {  	s26 =	simm.s32 $0x0;
	[smem:$0x7FF] =	sst s4;
	s9 =	smul.u32 $0x14000, s1  }
0x9: {  	s11 =	smul.u32 $0x28000, s1;
	s22 =	sshll.u32 s1, $0x6;
	s5 =	sshll.u32 s7, $0x4  }
0xa: {  	_ =	strace $0x8000004A;
	s10 =	sshll.u32 s7, $0x6;
	s5 =	sor.u32 s1, s5  }
0xb: {  	s7 =	ssub.s32 $0x2, s7;
	s22 =	sor.u32 $0x1C03, s22;
	s8 =	smul.u32 $0x1400, s5  }
0xc: {  	s29 =	sor.u32 s10, s9;
	s30 =	sshrl.u32 s7, $0x1;
	s31 =	sshrl.u32 s11, $0x2  }
0xd: {  	s5 =	sadd.s32 $0x2A400, s6;
	s12 =	sadd.s32 s8, s6;
	s8 =	sshrl.u32 s29, $0x3  }
0xe: {  	s14 =	ssub.s32 s7, s30;
	s13 =	sadd.s32 s8, s6;
	s6 =	sadd.s32 s31, s3  }
0xf: {  	s11 =	sadd.s32 $0x2400, s12;
	s7 =	sadd.s32 $0x2000, s6;
	s8 =	sadd.s32 $0x4000, s6  }
0x10: {  	s9 =	sadd.s32 $0x6000, s6;
	s10 =	sadd.s32 $0x8000, s6;
	s12 =	sadd.s32 $0x52400, s13  }
0x11: {  	s13 =	smax.u32 s14, $0x1;
	s14 =	simm.s32 $0xA000;
	s23 =	sshrl.u32 s6, $0x3  }
.LBB2_1:
0x12: {  	[tilespmem:s14], [sflag:$0x3] =	stream.linear.gather [hbm4b:s2+s4], $0x2000, $0x38;
	[tilespmem:$0x1C000] =	vst v63  }
0x13: {  	_ =	swait.ge [sflag:s15], $0x2000  }
0x14: {  	[sflag:s15] =	ssyncset.done $0x0  }
0x15: {  	[sflag:s15] =	ssyncadd.s32 $0xFFFFE000  }
0x16: {  	[spmem:s6] =	stream.linear.scatter [tilespmem:s14], [sflag:$0x3], $0x2000, $0x38;
	[tilespmem:$0x1C000] =	vst v63  }
0x17: {  	_ =	swait.ge [sflag:s15], $0x2000  }
0x18: {  	[sflag:s15] =	ssyncset.done $0x0  }
0x19: {  	[sflag:s15] =	ssyncadd.s32 $0xFFFFE000  }
0x1a: {  	[spmem:s7] =	stream.linear.scatter [tilespmem:s14], [sflag:$0x3], $0x2000, $0x38;
	[tilespmem:$0x1C000] =	vst v63  }
0x1b: {  	_ =	swait.ge [sflag:s15], $0x2000  }
0x1c: {  	[sflag:s15] =	ssyncset.done $0x0  }
0x1d: {  	[sflag:s15] =	ssyncadd.s32 $0xFFFFE000  }
0x1e: {  	[spmem:s8] =	stream.linear.scatter [tilespmem:s14], [sflag:$0x3], $0x2000, $0x38;
	[tilespmem:$0x1C000] =	vst v63  }
0x1f: {  	_ =	swait.ge [sflag:s15], $0x2000  }
0x20: {  	[sflag:s15] =	ssyncset.done $0x0  }
0x21: {  	[sflag:s15] =	ssyncadd.s32 $0xFFFFE000  }
0x22: {  	[spmem:s9] =	stream.linear.scatter [tilespmem:s14], [sflag:$0x3], $0x2000, $0x38;
	[tilespmem:$0x1C000] =	vst v63  }
0x23: {  	_ =	swait.ge [sflag:s15], $0x2000  }
0x24: {  	[sflag:s15] =	ssyncset.done $0x0  }
0x25: {  	[sflag:s15] =	ssyncadd.s32 $0xFFFFE000  }
0x26: {  	[spmem:s10] =	stream.linear.scatter [tilespmem:s14], [sflag:$0x3], $0x2000, $0x38;
	[tilespmem:$0x1C000] =	vst v63  }
0x27: {  	_ =	swait.ge [sflag:s15], $0x2000  }
0x28: {  	[sflag:s15] =	ssyncset.done $0x0  }
0x29: {  	[sflag:s15] =	ssyncadd.s32 $0xFFFFE000  }
0x2a: {  	[tilespmem:s4], [sflag:$0x3] =	stream.linear.gather [hbm4b:s11+s4], $0xA000, $0x38;
	[tilespmem:$0x1C000] =	vst v63  }
0x2b: {  	_ =	swait.ge [sflag:s15], $0xA000  }
0x2c: {  	[sflag:s15] =	ssyncset.done $0x0  }
0x2d: {  	[sflag:s15] =	ssyncadd.s32 $0xFFFF6000  }
0x2e: {  	s28 =	simm.s32 $0x0;
	[bflag:$0x0] =	sbarrier.arrive $0xFFFF  }
0x2f: {  	[tilespmem:s14], [sflag:$0x1] =	stream.indirect.gather [hbm4b:s5+s16], $0x40, s28, s16, $0xb8;
	[tilespmem:$0x1C000] =	vst v63  }
0x30: {  	s28 =	simm.s32 $0x80  }
0x31: {  	[tilespmem:s17], [sflag:$0x1] =	stream.indirect.gather [hbm4b:s5+s16], $0x40, s28, s16, $0xb8;
	[tilespmem:$0x1C000] =	vst v63  }
0x32: {  	s28 =	simm.s32 $0x100  }
0x33: {  	[tilespmem:s18], [sflag:$0x1] =	stream.indirect.gather [hbm4b:s5+s16], $0x40, s28, s16, $0xb8;
	[tilespmem:$0x1C000] =	vst v63  }
0x34: {  	s28 =	simm.s32 $0x180  }
0x35: {  	[tilespmem:s19], [sflag:$0x1] =	stream.indirect.gather [hbm4b:s5+s16], $0x40, s28, s16, $0xb8;
	[tilespmem:$0x1C000] =	vst v63  }
0x36: {  	_ =	swait.ge [sflag:s20], $0x2000  }
0x37: {  	[sflag:s20] =	ssyncset.done $0x0  }
0x38: {  	[sflag:s20] =	ssyncadd.s32 $0xFFFFE000  }
0x39: {  	_ =	swait.ge [sflag:s20], $0x2000  }
0x3a: {  	[sflag:s20] =	ssyncset.done $0x0  }
0x3b: {  	[sflag:s20] =	ssyncadd.s32 $0xFFFFE000  }
0x3c: {  	_ =	swait.ge [sflag:s20], $0x2000  }
0x3d: {  	[sflag:s20] =	ssyncset.done $0x0  }
0x3e: {  	[sflag:s20] =	ssyncadd.s32 $0xFFFFE000  }
0x3f: {  	_ =	swait.ge [sflag:s20], $0x2000  }
0x40: {  	[sflag:s20] =	ssyncset.done $0x0  }
0x41: {  	s28 =	simm.s32 $0x5000;
	[sflag:s20] =	ssyncadd.s32 $0xFFFFE000  }
0x42: {  	[spmem:s3] =	stream.indirect.scatter.add.f32 [tilespmem:s14], [sflag:$0x2], $0x40, s28, s16, $0xb8;
	[tilespmem:$0x1C000] =	vst v63  }
0x43: {  	s28 =	simm.s32 $0x5080  }
0x44: {  	[spmem:s3] =	stream.indirect.scatter.add.f32 [tilespmem:s17], [sflag:$0x2], $0x40, s28, s16, $0xb8;
	[tilespmem:$0x1C000] =	vst v63  }
0x45: {  	s28 =	simm.s32 $0x5100  }
0x46: {  	[spmem:s3] =	stream.indirect.scatter.add.f32 [tilespmem:s18], [sflag:$0x2], $0x40, s28, s16, $0xb8;
	[tilespmem:$0x1C000] =	vst v63  }
0x47: {  	s28 =	simm.s32 $0x5180  }
0x48: {  	[spmem:s3] =	stream.indirect.scatter.add.f32 [tilespmem:s19], [sflag:$0x2], $0x40, s28, s16, $0xb8;
	[tilespmem:$0x1C000] =	vst v63  }
0x49: {  	_ =	swait.ge [sflag:s21], $0x2000  }
0x4a: {  	[sflag:s21] =	ssyncset.done $0x0  }
0x4b: {  	[sflag:s21] =	ssyncadd.s32 $0xFFFFE000  }
0x4c: {  	_ =	swait.ge [sflag:s21], $0x2000  }
0x4d: {  	[sflag:s21] =	ssyncset.done $0x0  }
0x4e: {  	[sflag:s21] =	ssyncadd.s32 $0xFFFFE000  }
0x4f: {  	_ =	swait.ge [sflag:s21], $0x2000  }
0x50: {  	[sflag:s21] =	ssyncset.done $0x0  }
0x51: {  	[sflag:s21] =	ssyncadd.s32 $0xFFFFE000  }
0x52: {  	_ =	swait.ge [sflag:s21], $0x2000  }
0x53: {  	s30 =	simm.s32 $0x1000;
	s28 =	simm.s32 $0x800;
	[sflag:s21] =	ssyncset.done $0x0  }
.LBB2_2:
0x54: {  	s31 =	sshra.s32 s28, $0x2  }
0x55: {  	[sflag:s21] =	ssyncadd.s32 $0xFFFFE000;
	s28 =	smov.u32 s30;
	s29 =	sadd.s32 $0x800, s30  }
0x56: {  	[tilespmem:s14], [sflag:$0x1] =	stream.indirect.gather [hbm4b:s5+s16], $0x40, s31, s16, $0xb8;
	[tilespmem:$0x1C000] =	vst v63  }
0x57: {  	p0 =	sne.s32 s30, $0x13800;
	s30 =	sadd.s32 $0x80, s31  }
0x58: {  	[tilespmem:s17], [sflag:$0x1] =	stream.indirect.gather [hbm4b:s5+s16], $0x40, s30, s16, $0xb8;
	[tilespmem:$0x1C000] =	vst v63  }
0x59: {  	s30 =	sadd.s32 $0x100, s31  }
0x5a: {  	[tilespmem:s18], [sflag:$0x1] =	stream.indirect.gather [hbm4b:s5+s16], $0x40, s30, s16, $0xb8;
	[tilespmem:$0x1C000] =	vst v63  }
0x5b: {  	s30 =	sadd.s32 $0x180, s31  }
0x5c: {  	[tilespmem:s19], [sflag:$0x1] =	stream.indirect.gather [hbm4b:s5+s16], $0x40, s30, s16, $0xb8;
	[tilespmem:$0x1C000] =	vst v63  }
0x5d: {  	_ =	swait.ge [sflag:s20], $0x2000  }
0x5e: {  	[sflag:s20] =	ssyncset.done $0x0  }
0x5f: {  	[sflag:s20] =	ssyncadd.s32 $0xFFFFE000  }
0x60: {  	_ =	swait.ge [sflag:s20], $0x2000  }
0x61: {  	[sflag:s20] =	ssyncset.done $0x0  }
0x62: {  	[sflag:s20] =	ssyncadd.s32 $0xFFFFE000  }
0x63: {  	_ =	swait.ge [sflag:s20], $0x2000  }
0x64: {  	[sflag:s20] =	ssyncset.done $0x0  }
0x65: {  	[sflag:s20] =	ssyncadd.s32 $0xFFFFE000  }
0x66: {  	_ =	swait.ge [sflag:s20], $0x2000  }
0x67: {  	[sflag:s20] =	ssyncset.done $0x0  }
0x68: {  	s30 =	sadd.s32 $0x5000, s31;
	[sflag:s20] =	ssyncadd.s32 $0xFFFFE000  }
0x69: {  	[spmem:s3] =	stream.indirect.scatter.add.f32 [tilespmem:s14], [sflag:$0x2], $0x40, s30, s16, $0xb8;
	[tilespmem:$0x1C000] =	vst v63  }
0x6a: {  	s30 =	sadd.s32 $0x5080, s31  }
0x6b: {  	[spmem:s3] =	stream.indirect.scatter.add.f32 [tilespmem:s17], [sflag:$0x2], $0x40, s30, s16, $0xb8;
	[tilespmem:$0x1C000] =	vst v63  }
0x6c: {  	s30 =	sadd.s32 $0x5100, s31  }
0x6d: {  	[spmem:s3] =	stream.indirect.scatter.add.f32 [tilespmem:s18], [sflag:$0x2], $0x40, s30, s16, $0xb8;
	[tilespmem:$0x1C000] =	vst v63  }
0x6e: {  	s30 =	sadd.s32 $0x5180, s31  }
0x6f: {  	[spmem:s3] =	stream.indirect.scatter.add.f32 [tilespmem:s19], [sflag:$0x2], $0x40, s30, s16, $0xb8;
	[tilespmem:$0x1C000] =	vst v63  }
0x70: {  	_ =	swait.ge [sflag:s21], $0x2000  }
0x71: {  	[sflag:s21] =	ssyncset.done $0x0  }
0x72: {  	[sflag:s21] =	ssyncadd.s32 $0xFFFFE000  }
0x73: {  	_ =	swait.ge [sflag:s21], $0x2000  }
0x74: {  	[sflag:s21] =	ssyncset.done $0x0  }
0x75: {  	[sflag:s21] =	ssyncadd.s32 $0xFFFFE000  }
.Ltmp0:
0x76: {  	_ =	swait.ge [sflag:s21], $0x2000;
	(pc) =	sbr.rel @p0 .LBB2_2-.Ltmp0, $4  }
0x77: {  	[sflag:s21] =	ssyncset.done $0x0  }
0x78: {  	[sflag:s21] =	ssyncadd.s32 $0xFFFFE000  }
0x79: {  	_ =	swait.ge [sflag:s21], $0x2000  }
0x7a: {  	s30 =	smov.u32 s29;
	[sflag:s21] =	ssyncset.done $0x0  }
0x7b: {  	s28 =	sshra.s32 s28, $0x2;
	[sflag:s21] =	ssyncadd.s32 $0xFFFFE000  }
0x7c: {  	[tilespmem:s14], [sflag:$0x1] =	stream.indirect.gather [hbm4b:s5+s16], $0x40, s28, s16, $0xb8;
	[tilespmem:$0x1C000] =	vst v63  }
0x7d: {  	s29 =	sadd.s32 $0x80, s28  }
0x7e: {  	[tilespmem:s17], [sflag:$0x1] =	stream.indirect.gather [hbm4b:s5+s16], $0x40, s29, s16, $0xb8;
	[tilespmem:$0x1C000] =	vst v63  }
0x7f: {  	s31 =	sadd.s32 $0x100, s28  }
0x80: {  	[tilespmem:s18], [sflag:$0x1] =	stream.indirect.gather [hbm4b:s5+s16], $0x40, s31, s16, $0xb8;
	[tilespmem:$0x1C000] =	vst v63  }
0x81: {  	s30 =	sadd.s32 $0x180, s28  }
0x82: {  	[tilespmem:s19], [sflag:$0x1] =	stream.indirect.gather [hbm4b:s5+s16], $0x40, s30, s16, $0xb8;
	[tilespmem:$0x1C000] =	vst v63  }
0x83: {  	_ =	swait.ge [sflag:s20], $0x2000  }
0x84: {  	[sflag:s20] =	ssyncset.done $0x0  }
0x85: {  	[sflag:s20] =	ssyncadd.s32 $0xFFFFE000  }
0x86: {  	_ =	swait.ge [sflag:s20], $0x2000  }
0x87: {  	[sflag:s20] =	ssyncset.done $0x0  }
0x88: {  	[sflag:s20] =	ssyncadd.s32 $0xFFFFE000  }
0x89: {  	_ =	swait.ge [sflag:s20], $0x2000  }
0x8a: {  	[sflag:s20] =	ssyncset.done $0x0  }
0x8b: {  	[sflag:s20] =	ssyncadd.s32 $0xFFFFE000  }
0x8c: {  	_ =	swait.ge [sflag:s20], $0x2000  }
0x8d: {  	[sflag:s20] =	ssyncset.done $0x0  }
0x8e: {  	s31 =	sadd.s32 $0x5000, s28;
	[sflag:s20] =	ssyncadd.s32 $0xFFFFE000  }
0x8f: {  	[spmem:s3] =	stream.indirect.scatter.add.f32 [tilespmem:s14], [sflag:$0x2], $0x40, s31, s16, $0xb8;
	[tilespmem:$0x1C000] =	vst v63  }
0x90: {  	s30 =	sadd.s32 $0x5080, s28  }
0x91: {  	[spmem:s3] =	stream.indirect.scatter.add.f32 [tilespmem:s17], [sflag:$0x2], $0x40, s30, s16, $0xb8;
	[tilespmem:$0x1C000] =	vst v63  }
0x92: {  	s31 =	sadd.s32 $0x5100, s28  }
0x93: {  	[spmem:s3] =	stream.indirect.scatter.add.f32 [tilespmem:s18], [sflag:$0x2], $0x40, s31, s16, $0xb8;
	[tilespmem:$0x1C000] =	vst v63  }
0x94: {  	s28 =	sadd.s32 $0x5180, s28  }
0x95: {  	[spmem:s3] =	stream.indirect.scatter.add.f32 [tilespmem:s19], [sflag:$0x2], $0x40, s28, s16, $0xb8;
	[tilespmem:$0x1C000] =	vst v63  }
0x96: {  	_ =	swait.ge [sflag:s21], $0x2000  }
0x97: {  	[sflag:s21] =	ssyncset.done $0x0  }
0x98: {  	[sflag:s21] =	ssyncadd.s32 $0xFFFFE000  }
0x99: {  	_ =	swait.ge [sflag:s21], $0x2000  }
0x9a: {  	[sflag:s21] =	ssyncset.done $0x0  }
0x9b: {  	[sflag:s21] =	ssyncadd.s32 $0xFFFFE000  }
0x9c: {  	_ =	swait.ge [sflag:s21], $0x2000  }
0x9d: {  	[sflag:s21] =	ssyncset.done $0x0  }
0x9e: {  	[sflag:s21] =	ssyncadd.s32 $0xFFFFE000  }
0x9f: {  	_ =	swait.ge [sflag:s21], $0x2000  }
0xa0: {  	s26 =	sadd.s32 $0x1, s26;
	[sflag:s21] =	ssyncset.done $0x0  }
0xa1: {  	p0 =	sne.s32 s26, s13;
	[sflag:s21] =	ssyncadd.s32 $0xFFFFE000  }
.Ltmp1:
0xa2: {  	[bflag:$0x0] =	sbarrier.arrive $0xFFFF;
	(pc) =	sbr.rel @p0 .LBB2_1-.Ltmp1, $4  }
0xa3: {  	[hbm:s12@s24], [sflag:s22] =	dma.strided [spmem:s23@s25], $0x1400, s20, $0x8   }
0xa4: {  	_ =	swait.ge [sflag:s15], $0x1400  }
0xa5: {  	[sflag:s15] =	ssyncset.done $0x0  }
0xa6: {  	[sflag:s15] =	ssyncadd.s32 $0xFFFFEC00  }
0xa7: {  	_ =	sfence.sel $0x180000  }
0xa8: {  	[bflag:$0x0] =	sbarrier.arrive $0xFFFF  }
0xa9: {  	p0 =	sne.s32 s1, $0x0;
	_ =	strace $0x9000004A  }
0xaa: {  	s0 =	sadd.s32 @!p0 $0x100000, s0;
	[bflag:$0x2] =	sbarrier.arrive $0xFFFF  }
0xab: {  	[sflag:s0] =	ssyncadd.tile.s32 @!p0 $0x1;
	_ =	shalt  }
.Lfunc_end2:
_tile_overlayer_lowered:
.L_overlay_start_2:
0xac: {  	(tag) =	ssettag $0x2  }
0xad: {  	s0 =	rddreg [dreg:$0x0];
	s2 =	stileid.u32  }
0xae: {  	s1 =	rddreg [dreg:$0x1];
	p0 =	sne.s32 s2, $0x0  }
0xaf: {  	s3 =	rddreg [dreg:$0x2];
	[bflag:$0x3] =	sbarrier.arrive $0xFFFF;
	s2 =	simm.s32 @!p0 $0x1C03  }
0xb0: {  	[timem:s3], [sflag:s2] =	dma.local @!p0 [hbm:s0], s1  }
0xb1: {  	s0 =	simm.s32 @!p0 $0x3  }
0xb2: {  	_ =	swait.ge @!p0 [sflag:s0], s1  }
0xb3: {  	s1 =	ssub.s32 @!p0 $0x0, s1;
	[sflag:s0] =	ssyncset.done @!p0 $0x0  }
0xb4: {  	[sflag:s0] =	ssyncadd.s32 @!p0 s1  }
0xb5: {  	[bflag:$0x3] =	sbarrier.arrive $0xFFFF  }
0xb6: {  	_ =	shalt  }

// kernel: kernel.15.cloned.1.call-start
scs
__scs_entry_jumppad:
0x0: {  	(pc) =	sbr.rel $0x88, $3  }
0x1: {  	(tag) =	ssettag $0x0;
	lr =	simm.s32 $0x1  }
0x2: {  	[smem:$0x3F98] =	sst lr;
	_ =	strace $0xD0000000  }
0x3: {  	_ = 	snop  }
0x4: {  	_ = 	snop  }
0x5: {  	_ = 	snop  }
0x6: {  	_ = 	snop  }
0x7: {  	_ = 	snop  }
__scs_overlays_trampoline_lowered:
0x8: {  	[smem:$0x3FA7] =	sst s0  }
0x9: {  	[smem:$0x3FA8] =	sst s1  }
0xa: {  	[smem:$0x3FA9] =	sst s2  }
0xb: {  	[smem:$0x3FAA] =	sst s3  }
0xc: {  	[smem:$0x3FAB] =	sst s4  }
0xd: {  	[smem:$0x3FAC] =	sst s5  }
0xe: {  	[smem:$0x3FAD] =	sst s6  }
0xf: {  	[smem:$0x3FAE] =	sst s7  }
0x10: {  	[smem:$0x3FAF] =	sst s8  }
0x11: {  	[smem:$0x3FB0] =	sst s9;
	s0 =	simm.s32 @!p0 $0x0  }
0x12: {  	s1 =	sld [smem:$0x3F96];
	s0 =	simm.s32 @p0 $0x1  }
0x13: {  	[smem:$0x3FB1] =	sst s0;
	s0 =	simm.s32 @!p1 $0x0  }
0x14: {  	s2 =	sld [smem:$0x3F95];
	s0 =	simm.s32 @p1 $0x1  }
0x15: {  	[smem:$0x3FB2] =	sst s0;
	s0 =	simm.s32 @!p2 $0x0  }
0x16: {  	s3 =	sld [smem:$0x3FDB];
	s0 =	simm.s32 @p2 $0x1  }
0x17: {  	s4 =	simm.s32 $0x1BF5;
	[smem:$0x3FB4] =	sst s0  }
0x18: {  	s0 =	sld [smem:$0x3F97];
	_ =	swait.ge [sflag:s4], $0x0  }
0x19: {  	s7 =	sld [smem:$0x3F98]  }
0x1a: {  	s8 =	sadd.s32 $0xFFFFE003, lr  }
0x1b: {  	s9 =	sadd.s32 $0xFFFFFEF7, lr;
	s5 =	simm.s32 $0xFFFFFFFF;
	p2 =	slt.u32 s8, $0xFFFFF086  }
0x1c: {  	p1 =	slt.u32 s9, $0xF7A;
	s5 =	simm.s32 @!p2 $0x0  }
0x1d: {  	s5 =	simm.s32 @p1 $0x1;
	p0 =	seq.s32 s7, s2  }
0x1e: {  	s7 =	smul.u32 @!p0 $0xF7A, s2;
	p2 =	seq.s32 @!p0 s5, $0x0  }
0x1f: {  	s9 =	smul.u32 $0xF7A, s1;
	s8 =	simm.s32 @!p0 $0x1BF5;
	p2 =	por !p2, p0  }
0x20: {  	[sflag:s8] =	ssyncset.s32 @!p0 $0xFFFFF086;
	s6 =	sadd.s32 @!p0 s3, s7;
	s7 =	simm.s32 @!p0 $0x108  }
0x21: {  	s3 =	sadd.s32 s3, s9;
	s6 =	sadd.s32 @!p0 $0x88, s6;
	s7 =	simm.s32 @p2 $0x1082  }
0x22: {  	[simem:s7], [sflag:s8] =	dma.local @!p0 [hbm:s6], $0xF7A  }
0x23: {  	s9 =	sor.u32 $0xD0000000, s2;
	s6 =	simm.s32 $0x108;
	_ =	swait.ge @!p0 [sflag:s8], $0x0  }
0x24: {  	s3 =	sadd.s32 $0x88, s3;
	s6 =	simm.s32 @!p1 $0x1082;
	[sflag:s4] =	ssyncset.s32 $0xFFFFF086  }
0x25: {  	[simem:s6], [sflag:s4] =	dma.local [hbm:s3], $0xF7A  }
0x26: {  	[smem:$0x3F98] =	sst s1;
	(tag) =	ssettag s2;
	_ =	strace s9  }
0x27: {  	s1 =	sld [smem:$0x3FA8]  }
0x28: {  	s2 =	sld [smem:$0x3FA9]  }
0x29: {  	s4 =	sld [smem:$0x3FAB]  }
0x2a: {  	p0 =	seq.s32 s5, $0x0;
	s5 =	sld [smem:$0x3FAC]  }
0x2b: {  	s6 =	sld [smem:$0x3FAD]  }
0x2c: {  	s7 =	sld [smem:$0x3FAE]  }
0x2d: {  	s3 =	simm.s32 $0x108;
	s8 =	sld [smem:$0x3FAF]  }
0x2e: {  	s3 =	simm.s32 @!p0 $0x1082;
	s9 =	sld [smem:$0x3FB0]  }
0x2f: {  	lr =	sadd.s32 s0, s3;
	s0 =	sld [smem:$0x3FA7]  }
0x30: {  	s3 =	sld [smem:$0x3FAA]  }
0x31: {  	[smem:$0x3FB3] =	sst s10  }
0x32: {  	s10 =	sld [smem:$0x3FB1];
	_ =	sdelay $0x3  }
0x33: {  	p0 =	seq.s32 s10, $0x1;
	s10 =	sld [smem:$0x3FB3];
	_ =	sdelay $0x3  }
0x34: {  	[smem:$0x3FB3] =	sst s10  }
0x35: {  	s10 =	sld [smem:$0x3FB2];
	_ =	sdelay $0x3  }
0x36: {  	p1 =	seq.s32 s10, $0x1;
	s10 =	sld [smem:$0x3FB3];
	_ =	sdelay $0x3  }
0x37: {  	[smem:$0x3FB3] =	sst s10  }
0x38: {  	s10 =	sld [smem:$0x3FB4]  }
0x39: {  	_ = 	snop;
	(pc) =	sbr.ind lr, $3  }
0x3a: {  	_ = 	snop  }
0x3b: {  	_ = 	snop  }
0x3c: {  	p2 =	seq.s32 s10, $0x1;
	s10 =	sld [smem:$0x3FB3]  }
0x3d: {  	_ =	shalt  }
0x3e: {  	_ =	shalt  }
0x3f: {  	_ =	shalt  }
0x40: {  	_ =	shalt  }
0x41: {  	_ =	shalt  }
0x42: {  	_ =	shalt  }
0x43: {  	_ =	shalt  }
0x44: {  	_ =	shalt  }
0x45: {  	_ =	shalt  }
0x46: {  	_ =	shalt  }
0x47: {  	_ =	shalt  }
0x48: {  	_ =	shalt  }
0x49: {  	_ =	shalt  }
0x4a: {  	_ =	shalt  }
0x4b: {  	_ =	shalt  }
0x4c: {  	_ =	shalt  }
0x4d: {  	_ =	shalt  }
0x4e: {  	_ =	shalt  }
0x4f: {  	_ =	shalt  }
0x50: {  	_ =	shalt  }
0x51: {  	_ =	shalt  }
0x52: {  	_ =	shalt  }
0x53: {  	_ =	shalt  }
0x54: {  	_ =	shalt  }
0x55: {  	_ =	shalt  }
0x56: {  	_ =	shalt  }
0x57: {  	_ =	shalt  }
0x58: {  	_ =	shalt  }
0x59: {  	_ =	shalt  }
0x5a: {  	_ =	shalt  }
0x5b: {  	_ =	shalt  }
0x5c: {  	_ =	shalt  }
0x5d: {  	_ =	shalt  }
0x5e: {  	_ =	shalt  }
0x5f: {  	_ =	shalt  }
0x60: {  	_ =	shalt  }
0x61: {  	_ =	shalt  }
0x62: {  	_ =	shalt  }
0x63: {  	_ =	shalt  }
0x64: {  	_ =	shalt  }
0x65: {  	_ =	shalt  }
0x66: {  	_ =	shalt  }
0x67: {  	_ =	shalt  }
0x68: {  	_ =	shalt  }
0x69: {  	_ =	shalt  }
0x6a: {  	_ =	shalt  }
0x6b: {  	_ =	shalt  }
0x6c: {  	_ =	shalt  }
0x6d: {  	_ =	shalt  }
0x6e: {  	_ =	shalt  }
0x6f: {  	_ =	shalt  }
0x70: {  	_ =	shalt  }
0x71: {  	_ =	shalt  }
0x72: {  	_ =	shalt  }
0x73: {  	_ =	shalt  }
0x74: {  	_ =	shalt  }
0x75: {  	_ =	shalt  }
0x76: {  	_ =	shalt  }
0x77: {  	_ =	shalt  }
0x78: {  	_ =	shalt  }
0x79: {  	_ =	shalt  }
0x7a: {  	_ =	shalt  }
0x7b: {  	_ =	shalt  }
0x7c: {  	_ =	shalt  }
0x7d: {  	_ =	shalt  }
0x7e: {  	_ =	shalt  }
0x7f: {  	_ =	shalt  }
0x80: {  	_ =	shalt  }
0x81: {  	_ =	shalt  }
0x82: {  	_ =	shalt  }
0x83: {  	_ =	shalt  }
0x84: {  	_ =	shalt  }
0x85: {  	_ =	shalt  }
0x86: {  	_ =	shalt  }
0x87: {  	_ =	shalt  }
.Lfunc_end0:
.L_simem_size_0:
called_computation.2_lowered:
.L_overlay_start_0:
0x88: {  	s2 =	sld [smem:$0x3FD9]  }
0x89: {  	s3 =	sld [smem:$0x3FFE];
	_ =	sdelay $0x1  }
0x8a: {  	s1 =	srdreg.scid  }
0x8b: {  	s0 =	sand.u32 $0x1, s1  }
0x8c: {  	s17 =	sshll.u32 s0, $0xA;
	s2 =	sadd.s32 s3, s2  }
0x8d: {  	s2 =	sadd.s32 s2, s17  }
0x8e: {  	[smem:$0x3FBF] =	sst s2  }
0x8f: {  	_ = 	snop  }
0x90: {  	s2 =	sld [smem:$0x3FD0];
	(tm) =	ssettm $0x1  }
0x91: {  	s18 =	sld [smem:$0x3FFB];
	_ =	sdelay $0x3  }
0x92: {  	_ =	strace s18  }
0x93: {  	s3 =	sld [smem:$0x3FFC];
	_ =	sdelay $0x3  }
0x94: {  	_ =	strace s3  }
0x95: {  	s3 =	sld [smem:$0x3FFD];
	_ =	sdelay $0x3  }
0x96: {  	_ =	strace s3  }
0x97: {  	_ =	strace $0x8FFFFFFF  }
0x98: {  	s19 =	sld [smem:$0x3FDB];
	_ =	sdelay $0x1  }
0x99: {  	s4 =	simm.s32 $_scs_section_size  }
0x9a: {  	s5 =	simm.s32 $_size__tile_overlayer_lowered;
	s6 =	simm.s32 $_tile_overlayer_lowered  }
0x9b: {  	s22 =	simm.s32 $0x1BFF;
	s21 =	sshll.u32 s6, $0x1;
	s3 =	sadd.s32 s4, s19  }
0x9c: {  	s7 =	simm.s32 $0x0;
	s20 =	sshll.u32 s5, $0x1;
	s5 =	sadd.s32 s21, s3  }
0x9d: {  	[timem:s7], [sflag:s22] =	dma.local [hbm:s5], s20  }
0x9e: {  	_ =	swait.ge [sflag:s22], s20  }
0x9f: {  	s4 =	ssub.s32 $0x0, s20;
	[sflag:s22] =	ssyncset.done $0x0  }
0xa0: {  	[sflag:s22] =	ssyncadd.s32 s4;
	_ =	sdelay $0x1  }
0xa1: {  	s23 =	simm.s32 $0x1B8B  }
0xa2: {  	_ =	swait.ge [sflag:s23], $0x1  }
0xa3: {  	[sflag:s23] =	ssyncset.done $0x0  }
0xa4: {  	s25 =	simm.s32 $0x1B8E;
	s24 =	sld [smem:$0x3FFE];
	[sflag:s23] =	ssyncadd.s32 $0xFFFFFFFF  }
0xa5: {  	s26 =	simm.s32 $execute0_lowered;
	[smem:$0x3FD2] =	sst s25  }
0xa6: {  	s5 =	sshll.u32 s26, $0x1;
	_ =	strace $0x8000004C;
	[dreg:$0x1] =	wrdreg $0xFFFFFFFF  }
0xa7: {  	s28 =	simm.s32 $_size_execute0_lowered;
	s3 =	sadd.s32 s3, s5;
	[dreg:$0x0] =	wrdreg $0x0  }
0xa8: {  	s5 =	sshll.u32 s28, $0x1;
	[dreg:$0x2] =	wrdreg s3  }
0xa9: {  	[dreg:$0x3] =	wrdreg s5  }
0xaa: {  	[dreg:$0x4] =	wrdreg $0xC0  }
0xab: {  	_ =	task [dreg:s7], $0x5FFFF  }
0xac: {  	[dreg:$0x1] =	wrdreg $0xFFFFFFFF  }
0xad: {  	[dreg:$0x0] =	wrdreg $0x60  }
0xae: {  	[dreg:$0x2] =	wrdreg s24  }
0xaf: {  	[dreg:$0x3] =	wrdreg s2  }
0xb0: {  	[dreg:$0x4] =	wrdreg $0x120000  }
0xb1: {  	[dreg:$0x5] =	wrdreg $0x9  }
0xb2: {  	_ =	task.clear_ibuf [dreg:s7], $0x6FFFF;
	_ =	strace $0x9000004C  }
0xb3: {  	s29 =	simm.s32 $0x9;
	_ =	strace $0x8000004E  }
0xb4: {  	_ =	swait.ge [sflag:s29], $0x1  }
0xb5: {  	[sflag:s29] =	ssyncadd.s32 $0xFFFFFFFF  }
0xb6: {  	_ =	strace $0x9000004E  }
0xb7: {  	_ =	sfence  }
0xb8: {  	s30 =	sld [smem:$0x0];
	_ =	sdelay $0x2  }
0xb9: {  	s31 =	sshll.u32 s1, $0xD;
	s1 =	sshrl.u32 s1, $0x2  }
0xba: {  	s3 =	sand.u32 $0x4000, s31;
	s1 =	sadd.s32 s1, s30  }
0xbb: {  	s0 =	sor.u32 s3, s0;
	s1 =	sshll.u32 s1, $0x11  }
0xbc: {  	s0 =	sor.u32 s1, s0  }
0xbd: {  	s0 =	sadd.s32 $0x8F2B, s0  }
0xbe: {  	[sflag:s0] =	ssyncadd.remote.s32 $0x1  }
0xbf: {  	_ =	sfence.sel $0xFFFF  }
0xc0: {  	[dreg:$0x0] =	wrdreg $0xFFFFFFFF;
	(pc) =	sbr.abs _section_cstart, $3  }
0xc1: {  	[dreg:$0x1] =	wrdreg $0xFFFFFFFF  }
0xc2: {  	_ =	task.clear_ibuf [dreg:s7], $0x2FFFF;
	_ =	strace $0x9FFFFFFF  }
0xc3: {  	(tm) =	ssettm $0x7FFFFFFF  }
tec
execute0_lowered:
.L_overlay_start_1:
0x0: {  	(tag) =	ssettag $0x1  }
0x1: {  	s6 =	rddreg [dreg:$0x0]  }
0x2: {  	s0 =	srdreg.scid;
	s2 =	rddreg [dreg:$0x1]  }
0x3: {  	s3 =	rddreg [dreg:$0x2];
	s1 =	stileid.u32  }
0x4: {  	s4 =	simm.s32 $0x0;
	s15 =	simm.s32 $0x3;
	s16 =	simm.s32 $0x80  }
0x5: {  	s17 =	simm.s32 $0xC000;
	s18 =	simm.s32 $0xE000;
	s19 =	simm.s32 $0x10000  }
0x6: {  	s20 =	simm.s32 $0x1;
	s21 =	simm.s32 $0x2;
	s24 =	simm.s32 $0x10  }
0x7: {  	s25 =	simm.s32 $0x8;
	s7 =	sand.u32 $0x1, s0;
	s0 =	rddreg [dreg:$0x3]  }
0x8: {  	s26 =	simm.s32 $0x0;
	[smem:$0x7FF] =	sst s4;
	s9 =	smul.u32 $0x14000, s1  }
0x9: {  	s11 =	smul.u32 $0x28000, s1;
	s22 =	sshll.u32 s1, $0x6;
	s5 =	sshll.u32 s7, $0x4  }
0xa: {  	_ =	strace $0x8000004D;
	s10 =	sshll.u32 s7, $0x6;
	s5 =	sor.u32 s1, s5  }
0xb: {  	s7 =	ssub.s32 $0x2, s7;
	s22 =	sor.u32 $0x1C03, s22;
	s8 =	smul.u32 $0x1400, s5  }
0xc: {  	s29 =	sor.u32 s10, s9;
	s30 =	sshrl.u32 s7, $0x1;
	s31 =	sshrl.u32 s11, $0x2  }
0xd: {  	s5 =	sadd.s32 $0x2A400, s6;
	s12 =	sadd.s32 s8, s6;
	s8 =	sshrl.u32 s29, $0x3  }
0xe: {  	s14 =	ssub.s32 s7, s30;
	s13 =	sadd.s32 s8, s6;
	s6 =	sadd.s32 s31, s3  }
0xf: {  	s11 =	sadd.s32 $0x2400, s12;
	s7 =	sadd.s32 $0x2000, s6;
	s8 =	sadd.s32 $0x4000, s6  }
0x10: {  	s9 =	sadd.s32 $0x6000, s6;
	s10 =	sadd.s32 $0x8000, s6;
	s12 =	sadd.s32 $0x52400, s13  }
0x11: {  	s13 =	smax.u32 s14, $0x1;
	s14 =	simm.s32 $0xA000;
	s23 =	sshrl.u32 s6, $0x3  }
.LBB2_1:
0x12: {  	[tilespmem:s14], [sflag:$0x3] =	stream.linear.gather [hbm4b:s2+s4], $0x2000, $0x38;
	[tilespmem:$0x1C000] =	vst v63  }
0x13: {  	_ =	swait.ge [sflag:s15], $0x2000  }
0x14: {  	[sflag:s15] =	ssyncset.done $0x0  }
0x15: {  	[sflag:s15] =	ssyncadd.s32 $0xFFFFE000  }
0x16: {  	[spmem:s6] =	stream.linear.scatter [tilespmem:s14], [sflag:$0x3], $0x2000, $0x38;
	[tilespmem:$0x1C000] =	vst v63  }
0x17: {  	_ =	swait.ge [sflag:s15], $0x2000  }
0x18: {  	[sflag:s15] =	ssyncset.done $0x0  }
0x19: {  	[sflag:s15] =	ssyncadd.s32 $0xFFFFE000  }
0x1a: {  	[spmem:s7] =	stream.linear.scatter [tilespmem:s14], [sflag:$0x3], $0x2000, $0x38;
	[tilespmem:$0x1C000] =	vst v63  }
0x1b: {  	_ =	swait.ge [sflag:s15], $0x2000  }
0x1c: {  	[sflag:s15] =	ssyncset.done $0x0  }
0x1d: {  	[sflag:s15] =	ssyncadd.s32 $0xFFFFE000  }
0x1e: {  	[spmem:s8] =	stream.linear.scatter [tilespmem:s14], [sflag:$0x3], $0x2000, $0x38;
	[tilespmem:$0x1C000] =	vst v63  }
0x1f: {  	_ =	swait.ge [sflag:s15], $0x2000  }
0x20: {  	[sflag:s15] =	ssyncset.done $0x0  }
0x21: {  	[sflag:s15] =	ssyncadd.s32 $0xFFFFE000  }
0x22: {  	[spmem:s9] =	stream.linear.scatter [tilespmem:s14], [sflag:$0x3], $0x2000, $0x38;
	[tilespmem:$0x1C000] =	vst v63  }
0x23: {  	_ =	swait.ge [sflag:s15], $0x2000  }
0x24: {  	[sflag:s15] =	ssyncset.done $0x0  }
0x25: {  	[sflag:s15] =	ssyncadd.s32 $0xFFFFE000  }
0x26: {  	[spmem:s10] =	stream.linear.scatter [tilespmem:s14], [sflag:$0x3], $0x2000, $0x38;
	[tilespmem:$0x1C000] =	vst v63  }
0x27: {  	_ =	swait.ge [sflag:s15], $0x2000  }
0x28: {  	[sflag:s15] =	ssyncset.done $0x0  }
0x29: {  	[sflag:s15] =	ssyncadd.s32 $0xFFFFE000  }
0x2a: {  	[tilespmem:s4], [sflag:$0x3] =	stream.linear.gather [hbm4b:s11+s4], $0xA000, $0x38;
	[tilespmem:$0x1C000] =	vst v63  }
0x2b: {  	_ =	swait.ge [sflag:s15], $0xA000  }
0x2c: {  	[sflag:s15] =	ssyncset.done $0x0  }
0x2d: {  	[sflag:s15] =	ssyncadd.s32 $0xFFFF6000  }
0x2e: {  	s28 =	simm.s32 $0x0;
	[bflag:$0x0] =	sbarrier.arrive $0xFFFF  }
0x2f: {  	[tilespmem:s14], [sflag:$0x1] =	stream.indirect.gather [hbm4b:s5+s16], $0x40, s28, s16, $0xb8;
	[tilespmem:$0x1C000] =	vst v63  }
0x30: {  	s28 =	simm.s32 $0x80  }
0x31: {  	[tilespmem:s17], [sflag:$0x1] =	stream.indirect.gather [hbm4b:s5+s16], $0x40, s28, s16, $0xb8;
	[tilespmem:$0x1C000] =	vst v63  }
0x32: {  	s28 =	simm.s32 $0x100  }
0x33: {  	[tilespmem:s18], [sflag:$0x1] =	stream.indirect.gather [hbm4b:s5+s16], $0x40, s28, s16, $0xb8;
	[tilespmem:$0x1C000] =	vst v63  }
0x34: {  	s28 =	simm.s32 $0x180  }
0x35: {  	[tilespmem:s19], [sflag:$0x1] =	stream.indirect.gather [hbm4b:s5+s16], $0x40, s28, s16, $0xb8;
	[tilespmem:$0x1C000] =	vst v63  }
0x36: {  	_ =	swait.ge [sflag:s20], $0x2000  }
0x37: {  	[sflag:s20] =	ssyncset.done $0x0  }
0x38: {  	[sflag:s20] =	ssyncadd.s32 $0xFFFFE000  }
0x39: {  	_ =	swait.ge [sflag:s20], $0x2000  }
0x3a: {  	[sflag:s20] =	ssyncset.done $0x0  }
0x3b: {  	[sflag:s20] =	ssyncadd.s32 $0xFFFFE000  }
0x3c: {  	_ =	swait.ge [sflag:s20], $0x2000  }
0x3d: {  	[sflag:s20] =	ssyncset.done $0x0  }
0x3e: {  	[sflag:s20] =	ssyncadd.s32 $0xFFFFE000  }
0x3f: {  	_ =	swait.ge [sflag:s20], $0x2000  }
0x40: {  	[sflag:s20] =	ssyncset.done $0x0  }
0x41: {  	s28 =	simm.s32 $0x5000;
	[sflag:s20] =	ssyncadd.s32 $0xFFFFE000  }
0x42: {  	[spmem:s3] =	stream.indirect.scatter.add.f32 [tilespmem:s14], [sflag:$0x2], $0x40, s28, s16, $0xb8;
	[tilespmem:$0x1C000] =	vst v63  }
0x43: {  	s28 =	simm.s32 $0x5080  }
0x44: {  	[spmem:s3] =	stream.indirect.scatter.add.f32 [tilespmem:s17], [sflag:$0x2], $0x40, s28, s16, $0xb8;
	[tilespmem:$0x1C000] =	vst v63  }
0x45: {  	s28 =	simm.s32 $0x5100  }
0x46: {  	[spmem:s3] =	stream.indirect.scatter.add.f32 [tilespmem:s18], [sflag:$0x2], $0x40, s28, s16, $0xb8;
	[tilespmem:$0x1C000] =	vst v63  }
0x47: {  	s28 =	simm.s32 $0x5180  }
0x48: {  	[spmem:s3] =	stream.indirect.scatter.add.f32 [tilespmem:s19], [sflag:$0x2], $0x40, s28, s16, $0xb8;
	[tilespmem:$0x1C000] =	vst v63  }
0x49: {  	_ =	swait.ge [sflag:s21], $0x2000  }
0x4a: {  	[sflag:s21] =	ssyncset.done $0x0  }
0x4b: {  	[sflag:s21] =	ssyncadd.s32 $0xFFFFE000  }
0x4c: {  	_ =	swait.ge [sflag:s21], $0x2000  }
0x4d: {  	[sflag:s21] =	ssyncset.done $0x0  }
0x4e: {  	[sflag:s21] =	ssyncadd.s32 $0xFFFFE000  }
0x4f: {  	_ =	swait.ge [sflag:s21], $0x2000  }
0x50: {  	[sflag:s21] =	ssyncset.done $0x0  }
0x51: {  	[sflag:s21] =	ssyncadd.s32 $0xFFFFE000  }
0x52: {  	_ =	swait.ge [sflag:s21], $0x2000  }
0x53: {  	s30 =	simm.s32 $0x1000;
	s28 =	simm.s32 $0x800;
	[sflag:s21] =	ssyncset.done $0x0  }
.LBB2_2:
0x54: {  	s31 =	sshra.s32 s28, $0x2  }
0x55: {  	[sflag:s21] =	ssyncadd.s32 $0xFFFFE000;
	s28 =	smov.u32 s30;
	s29 =	sadd.s32 $0x800, s30  }
0x56: {  	[tilespmem:s14], [sflag:$0x1] =	stream.indirect.gather [hbm4b:s5+s16], $0x40, s31, s16, $0xb8;
	[tilespmem:$0x1C000] =	vst v63  }
0x57: {  	p0 =	sne.s32 s30, $0x13800;
	s30 =	sadd.s32 $0x80, s31  }
0x58: {  	[tilespmem:s17], [sflag:$0x1] =	stream.indirect.gather [hbm4b:s5+s16], $0x40, s30, s16, $0xb8;
	[tilespmem:$0x1C000] =	vst v63  }
0x59: {  	s30 =	sadd.s32 $0x100, s31  }
0x5a: {  	[tilespmem:s18], [sflag:$0x1] =	stream.indirect.gather [hbm4b:s5+s16], $0x40, s30, s16, $0xb8;
	[tilespmem:$0x1C000] =	vst v63  }
0x5b: {  	s30 =	sadd.s32 $0x180, s31  }
0x5c: {  	[tilespmem:s19], [sflag:$0x1] =	stream.indirect.gather [hbm4b:s5+s16], $0x40, s30, s16, $0xb8;
	[tilespmem:$0x1C000] =	vst v63  }
0x5d: {  	_ =	swait.ge [sflag:s20], $0x2000  }
0x5e: {  	[sflag:s20] =	ssyncset.done $0x0  }
0x5f: {  	[sflag:s20] =	ssyncadd.s32 $0xFFFFE000  }
0x60: {  	_ =	swait.ge [sflag:s20], $0x2000  }
0x61: {  	[sflag:s20] =	ssyncset.done $0x0  }
0x62: {  	[sflag:s20] =	ssyncadd.s32 $0xFFFFE000  }
0x63: {  	_ =	swait.ge [sflag:s20], $0x2000  }
0x64: {  	[sflag:s20] =	ssyncset.done $0x0  }
0x65: {  	[sflag:s20] =	ssyncadd.s32 $0xFFFFE000  }
0x66: {  	_ =	swait.ge [sflag:s20], $0x2000  }
0x67: {  	[sflag:s20] =	ssyncset.done $0x0  }
0x68: {  	s30 =	sadd.s32 $0x5000, s31;
	[sflag:s20] =	ssyncadd.s32 $0xFFFFE000  }
0x69: {  	[spmem:s3] =	stream.indirect.scatter.add.f32 [tilespmem:s14], [sflag:$0x2], $0x40, s30, s16, $0xb8;
	[tilespmem:$0x1C000] =	vst v63  }
0x6a: {  	s30 =	sadd.s32 $0x5080, s31  }
0x6b: {  	[spmem:s3] =	stream.indirect.scatter.add.f32 [tilespmem:s17], [sflag:$0x2], $0x40, s30, s16, $0xb8;
	[tilespmem:$0x1C000] =	vst v63  }
0x6c: {  	s30 =	sadd.s32 $0x5100, s31  }
0x6d: {  	[spmem:s3] =	stream.indirect.scatter.add.f32 [tilespmem:s18], [sflag:$0x2], $0x40, s30, s16, $0xb8;
	[tilespmem:$0x1C000] =	vst v63  }
0x6e: {  	s30 =	sadd.s32 $0x5180, s31  }
0x6f: {  	[spmem:s3] =	stream.indirect.scatter.add.f32 [tilespmem:s19], [sflag:$0x2], $0x40, s30, s16, $0xb8;
	[tilespmem:$0x1C000] =	vst v63  }
0x70: {  	_ =	swait.ge [sflag:s21], $0x2000  }
0x71: {  	[sflag:s21] =	ssyncset.done $0x0  }
0x72: {  	[sflag:s21] =	ssyncadd.s32 $0xFFFFE000  }
0x73: {  	_ =	swait.ge [sflag:s21], $0x2000  }
0x74: {  	[sflag:s21] =	ssyncset.done $0x0  }
0x75: {  	[sflag:s21] =	ssyncadd.s32 $0xFFFFE000  }
.Ltmp0:
0x76: {  	_ =	swait.ge [sflag:s21], $0x2000;
	(pc) =	sbr.rel @p0 .LBB2_2-.Ltmp0, $4  }
0x77: {  	[sflag:s21] =	ssyncset.done $0x0  }
0x78: {  	[sflag:s21] =	ssyncadd.s32 $0xFFFFE000  }
0x79: {  	_ =	swait.ge [sflag:s21], $0x2000  }
0x7a: {  	s30 =	smov.u32 s29;
	[sflag:s21] =	ssyncset.done $0x0  }
0x7b: {  	s28 =	sshra.s32 s28, $0x2;
	[sflag:s21] =	ssyncadd.s32 $0xFFFFE000  }
0x7c: {  	[tilespmem:s14], [sflag:$0x1] =	stream.indirect.gather [hbm4b:s5+s16], $0x40, s28, s16, $0xb8;
	[tilespmem:$0x1C000] =	vst v63  }
0x7d: {  	s29 =	sadd.s32 $0x80, s28  }
0x7e: {  	[tilespmem:s17], [sflag:$0x1] =	stream.indirect.gather [hbm4b:s5+s16], $0x40, s29, s16, $0xb8;
	[tilespmem:$0x1C000] =	vst v63  }
0x7f: {  	s31 =	sadd.s32 $0x100, s28  }
0x80: {  	[tilespmem:s18], [sflag:$0x1] =	stream.indirect.gather [hbm4b:s5+s16], $0x40, s31, s16, $0xb8;
	[tilespmem:$0x1C000] =	vst v63  }
0x81: {  	s30 =	sadd.s32 $0x180, s28  }
0x82: {  	[tilespmem:s19], [sflag:$0x1] =	stream.indirect.gather [hbm4b:s5+s16], $0x40, s30, s16, $0xb8;
	[tilespmem:$0x1C000] =	vst v63  }
0x83: {  	_ =	swait.ge [sflag:s20], $0x2000  }
0x84: {  	[sflag:s20] =	ssyncset.done $0x0  }
0x85: {  	[sflag:s20] =	ssyncadd.s32 $0xFFFFE000  }
0x86: {  	_ =	swait.ge [sflag:s20], $0x2000  }
0x87: {  	[sflag:s20] =	ssyncset.done $0x0  }
0x88: {  	[sflag:s20] =	ssyncadd.s32 $0xFFFFE000  }
0x89: {  	_ =	swait.ge [sflag:s20], $0x2000  }
0x8a: {  	[sflag:s20] =	ssyncset.done $0x0  }
0x8b: {  	[sflag:s20] =	ssyncadd.s32 $0xFFFFE000  }
0x8c: {  	_ =	swait.ge [sflag:s20], $0x2000  }
0x8d: {  	[sflag:s20] =	ssyncset.done $0x0  }
0x8e: {  	s31 =	sadd.s32 $0x5000, s28;
	[sflag:s20] =	ssyncadd.s32 $0xFFFFE000  }
0x8f: {  	[spmem:s3] =	stream.indirect.scatter.add.f32 [tilespmem:s14], [sflag:$0x2], $0x40, s31, s16, $0xb8;
	[tilespmem:$0x1C000] =	vst v63  }
0x90: {  	s30 =	sadd.s32 $0x5080, s28  }
0x91: {  	[spmem:s3] =	stream.indirect.scatter.add.f32 [tilespmem:s17], [sflag:$0x2], $0x40, s30, s16, $0xb8;
	[tilespmem:$0x1C000] =	vst v63  }
0x92: {  	s31 =	sadd.s32 $0x5100, s28  }
0x93: {  	[spmem:s3] =	stream.indirect.scatter.add.f32 [tilespmem:s18], [sflag:$0x2], $0x40, s31, s16, $0xb8;
	[tilespmem:$0x1C000] =	vst v63  }
0x94: {  	s28 =	sadd.s32 $0x5180, s28  }
0x95: {  	[spmem:s3] =	stream.indirect.scatter.add.f32 [tilespmem:s19], [sflag:$0x2], $0x40, s28, s16, $0xb8;
	[tilespmem:$0x1C000] =	vst v63  }
0x96: {  	_ =	swait.ge [sflag:s21], $0x2000  }
0x97: {  	[sflag:s21] =	ssyncset.done $0x0  }
0x98: {  	[sflag:s21] =	ssyncadd.s32 $0xFFFFE000  }
0x99: {  	_ =	swait.ge [sflag:s21], $0x2000  }
0x9a: {  	[sflag:s21] =	ssyncset.done $0x0  }
0x9b: {  	[sflag:s21] =	ssyncadd.s32 $0xFFFFE000  }
0x9c: {  	_ =	swait.ge [sflag:s21], $0x2000  }
0x9d: {  	[sflag:s21] =	ssyncset.done $0x0  }
0x9e: {  	[sflag:s21] =	ssyncadd.s32 $0xFFFFE000  }
0x9f: {  	_ =	swait.ge [sflag:s21], $0x2000  }
0xa0: {  	s26 =	sadd.s32 $0x1, s26;
	[sflag:s21] =	ssyncset.done $0x0  }
0xa1: {  	p0 =	sne.s32 s26, s13;
	[sflag:s21] =	ssyncadd.s32 $0xFFFFE000  }
.Ltmp1:
0xa2: {  	[bflag:$0x0] =	sbarrier.arrive $0xFFFF;
	(pc) =	sbr.rel @p0 .LBB2_1-.Ltmp1, $4  }
0xa3: {  	[hbm:s12@s24], [sflag:s22] =	dma.strided [spmem:s23@s25], $0x1400, s20, $0x8   }
0xa4: {  	_ =	swait.ge [sflag:s15], $0x1400  }
0xa5: {  	[sflag:s15] =	ssyncset.done $0x0  }
0xa6: {  	[sflag:s15] =	ssyncadd.s32 $0xFFFFEC00  }
0xa7: {  	_ =	sfence.sel $0x180000  }
0xa8: {  	[bflag:$0x0] =	sbarrier.arrive $0xFFFF  }
0xa9: {  	p0 =	sne.s32 s1, $0x0;
	_ =	strace $0x9000004D  }
0xaa: {  	s0 =	sadd.s32 @!p0 $0x100000, s0;
	[bflag:$0x2] =	sbarrier.arrive $0xFFFF  }
0xab: {  	[sflag:s0] =	ssyncadd.tile.s32 @!p0 $0x1;
	_ =	shalt  }
.Lfunc_end2:
_tile_overlayer_lowered:
.L_overlay_start_2:
0xac: {  	(tag) =	ssettag $0x2  }
0xad: {  	s0 =	rddreg [dreg:$0x0];
	s2 =	stileid.u32  }
0xae: {  	s1 =	rddreg [dreg:$0x1];
	p0 =	sne.s32 s2, $0x0  }
0xaf: {  	s3 =	rddreg [dreg:$0x2];
	[bflag:$0x3] =	sbarrier.arrive $0xFFFF;
	s2 =	simm.s32 @!p0 $0x1C03  }
0xb0: {  	[timem:s3], [sflag:s2] =	dma.local @!p0 [hbm:s0], s1  }
0xb1: {  	s0 =	simm.s32 @!p0 $0x3  }
0xb2: {  	_ =	swait.ge @!p0 [sflag:s0], s1  }
0xb3: {  	s1 =	ssub.s32 @!p0 $0x0, s1;
	[sflag:s0] =	ssyncset.done @!p0 $0x0  }
0xb4: {  	[sflag:s0] =	ssyncadd.s32 @!p0 s1  }
0xb5: {  	[bflag:$0x3] =	sbarrier.arrive $0xFFFF  }
0xb6: {  	_ =	shalt  }

// kernel: kernel.9.cloned.1.call-start
scs
__scs_entry_jumppad:
0x0: {  	(pc) =	sbr.rel $0x88, $3  }
0x1: {  	(tag) =	ssettag $0x0;
	lr =	simm.s32 $0x1  }
0x2: {  	[smem:$0x3F98] =	sst lr;
	_ =	strace $0xD0000000  }
0x3: {  	_ = 	snop  }
0x4: {  	_ = 	snop  }
0x5: {  	_ = 	snop  }
0x6: {  	_ = 	snop  }
0x7: {  	_ = 	snop  }
__scs_overlays_trampoline_lowered:
0x8: {  	[smem:$0x3FA7] =	sst s0  }
0x9: {  	[smem:$0x3FA8] =	sst s1  }
0xa: {  	[smem:$0x3FA9] =	sst s2  }
0xb: {  	[smem:$0x3FAA] =	sst s3  }
0xc: {  	[smem:$0x3FAB] =	sst s4  }
0xd: {  	[smem:$0x3FAC] =	sst s5  }
0xe: {  	[smem:$0x3FAD] =	sst s6  }
0xf: {  	[smem:$0x3FAE] =	sst s7  }
0x10: {  	[smem:$0x3FAF] =	sst s8  }
0x11: {  	[smem:$0x3FB0] =	sst s9;
	s0 =	simm.s32 @!p0 $0x0  }
0x12: {  	s1 =	sld [smem:$0x3F96];
	s0 =	simm.s32 @p0 $0x1  }
0x13: {  	[smem:$0x3FB1] =	sst s0;
	s0 =	simm.s32 @!p1 $0x0  }
0x14: {  	s2 =	sld [smem:$0x3F95];
	s0 =	simm.s32 @p1 $0x1  }
0x15: {  	[smem:$0x3FB2] =	sst s0;
	s0 =	simm.s32 @!p2 $0x0  }
0x16: {  	s3 =	sld [smem:$0x3FDB];
	s0 =	simm.s32 @p2 $0x1  }
0x17: {  	s4 =	simm.s32 $0x1BF5;
	[smem:$0x3FB4] =	sst s0  }
0x18: {  	s0 =	sld [smem:$0x3F97];
	_ =	swait.ge [sflag:s4], $0x0  }
0x19: {  	s7 =	sld [smem:$0x3F98]  }
0x1a: {  	s8 =	sadd.s32 $0xFFFFE003, lr  }
0x1b: {  	s9 =	sadd.s32 $0xFFFFFEF7, lr;
	s5 =	simm.s32 $0xFFFFFFFF;
	p2 =	slt.u32 s8, $0xFFFFF086  }
0x1c: {  	p1 =	slt.u32 s9, $0xF7A;
	s5 =	simm.s32 @!p2 $0x0  }
0x1d: {  	s5 =	simm.s32 @p1 $0x1;
	p0 =	seq.s32 s7, s2  }
0x1e: {  	s7 =	smul.u32 @!p0 $0xF7A, s2;
	p2 =	seq.s32 @!p0 s5, $0x0  }
0x1f: {  	s9 =	smul.u32 $0xF7A, s1;
	s8 =	simm.s32 @!p0 $0x1BF5;
	p2 =	por !p2, p0  }
0x20: {  	[sflag:s8] =	ssyncset.s32 @!p0 $0xFFFFF086;
	s6 =	sadd.s32 @!p0 s3, s7;
	s7 =	simm.s32 @!p0 $0x108  }
0x21: {  	s3 =	sadd.s32 s3, s9;
	s6 =	sadd.s32 @!p0 $0x88, s6;
	s7 =	simm.s32 @p2 $0x1082  }
0x22: {  	[simem:s7], [sflag:s8] =	dma.local @!p0 [hbm:s6], $0xF7A  }
0x23: {  	s9 =	sor.u32 $0xD0000000, s2;
	s6 =	simm.s32 $0x108;
	_ =	swait.ge @!p0 [sflag:s8], $0x0  }
0x24: {  	s3 =	sadd.s32 $0x88, s3;
	s6 =	simm.s32 @!p1 $0x1082;
	[sflag:s4] =	ssyncset.s32 $0xFFFFF086  }
0x25: {  	[simem:s6], [sflag:s4] =	dma.local [hbm:s3], $0xF7A  }
0x26: {  	[smem:$0x3F98] =	sst s1;
	(tag) =	ssettag s2;
	_ =	strace s9  }
0x27: {  	s1 =	sld [smem:$0x3FA8]  }
0x28: {  	s2 =	sld [smem:$0x3FA9]  }
0x29: {  	s4 =	sld [smem:$0x3FAB]  }
0x2a: {  	p0 =	seq.s32 s5, $0x0;
	s5 =	sld [smem:$0x3FAC]  }
0x2b: {  	s6 =	sld [smem:$0x3FAD]  }
0x2c: {  	s7 =	sld [smem:$0x3FAE]  }
0x2d: {  	s3 =	simm.s32 $0x108;
	s8 =	sld [smem:$0x3FAF]  }
0x2e: {  	s3 =	simm.s32 @!p0 $0x1082;
	s9 =	sld [smem:$0x3FB0]  }
0x2f: {  	lr =	sadd.s32 s0, s3;
	s0 =	sld [smem:$0x3FA7]  }
0x30: {  	s3 =	sld [smem:$0x3FAA]  }
0x31: {  	[smem:$0x3FB3] =	sst s10  }
0x32: {  	s10 =	sld [smem:$0x3FB1];
	_ =	sdelay $0x3  }
0x33: {  	p0 =	seq.s32 s10, $0x1;
	s10 =	sld [smem:$0x3FB3];
	_ =	sdelay $0x3  }
0x34: {  	[smem:$0x3FB3] =	sst s10  }
0x35: {  	s10 =	sld [smem:$0x3FB2];
	_ =	sdelay $0x3  }
0x36: {  	p1 =	seq.s32 s10, $0x1;
	s10 =	sld [smem:$0x3FB3];
	_ =	sdelay $0x3  }
0x37: {  	[smem:$0x3FB3] =	sst s10  }
0x38: {  	s10 =	sld [smem:$0x3FB4]  }
0x39: {  	_ = 	snop;
	(pc) =	sbr.ind lr, $3  }
0x3a: {  	_ = 	snop  }
0x3b: {  	_ = 	snop  }
0x3c: {  	p2 =	seq.s32 s10, $0x1;
	s10 =	sld [smem:$0x3FB3]  }
0x3d: {  	_ =	shalt  }
0x3e: {  	_ =	shalt  }
0x3f: {  	_ =	shalt  }
0x40: {  	_ =	shalt  }
0x41: {  	_ =	shalt  }
0x42: {  	_ =	shalt  }
0x43: {  	_ =	shalt  }
0x44: {  	_ =	shalt  }
0x45: {  	_ =	shalt  }
0x46: {  	_ =	shalt  }
0x47: {  	_ =	shalt  }
0x48: {  	_ =	shalt  }
0x49: {  	_ =	shalt  }
0x4a: {  	_ =	shalt  }
0x4b: {  	_ =	shalt  }
0x4c: {  	_ =	shalt  }
0x4d: {  	_ =	shalt  }
0x4e: {  	_ =	shalt  }
0x4f: {  	_ =	shalt  }
0x50: {  	_ =	shalt  }
0x51: {  	_ =	shalt  }
0x52: {  	_ =	shalt  }
0x53: {  	_ =	shalt  }
0x54: {  	_ =	shalt  }
0x55: {  	_ =	shalt  }
0x56: {  	_ =	shalt  }
0x57: {  	_ =	shalt  }
0x58: {  	_ =	shalt  }
0x59: {  	_ =	shalt  }
0x5a: {  	_ =	shalt  }
0x5b: {  	_ =	shalt  }
0x5c: {  	_ =	shalt  }
0x5d: {  	_ =	shalt  }
0x5e: {  	_ =	shalt  }
0x5f: {  	_ =	shalt  }
0x60: {  	_ =	shalt  }
0x61: {  	_ =	shalt  }
0x62: {  	_ =	shalt  }
0x63: {  	_ =	shalt  }
0x64: {  	_ =	shalt  }
0x65: {  	_ =	shalt  }
0x66: {  	_ =	shalt  }
0x67: {  	_ =	shalt  }
0x68: {  	_ =	shalt  }
0x69: {  	_ =	shalt  }
0x6a: {  	_ =	shalt  }
0x6b: {  	_ =	shalt  }
0x6c: {  	_ =	shalt  }
0x6d: {  	_ =	shalt  }
0x6e: {  	_ =	shalt  }
0x6f: {  	_ =	shalt  }
0x70: {  	_ =	shalt  }
0x71: {  	_ =	shalt  }
0x72: {  	_ =	shalt  }
0x73: {  	_ =	shalt  }
0x74: {  	_ =	shalt  }
0x75: {  	_ =	shalt  }
0x76: {  	_ =	shalt  }
0x77: {  	_ =	shalt  }
0x78: {  	_ =	shalt  }
0x79: {  	_ =	shalt  }
0x7a: {  	_ =	shalt  }
0x7b: {  	_ =	shalt  }
0x7c: {  	_ =	shalt  }
0x7d: {  	_ =	shalt  }
0x7e: {  	_ =	shalt  }
0x7f: {  	_ =	shalt  }
0x80: {  	_ =	shalt  }
0x81: {  	_ =	shalt  }
0x82: {  	_ =	shalt  }
0x83: {  	_ =	shalt  }
0x84: {  	_ =	shalt  }
0x85: {  	_ =	shalt  }
0x86: {  	_ =	shalt  }
0x87: {  	_ =	shalt  }
.Lfunc_end0:
.L_simem_size_0:
called_computation_lowered:
.L_overlay_start_0:
0x88: {  	s2 =	sld [smem:$0x3FD9]  }
0x89: {  	s3 =	sld [smem:$0x3FFE];
	_ =	sdelay $0x1  }
0x8a: {  	s1 =	srdreg.scid  }
0x8b: {  	s0 =	sand.u32 $0x1, s1  }
0x8c: {  	s17 =	sshll.u32 s0, $0xA;
	s2 =	sadd.s32 s3, s2  }
0x8d: {  	s2 =	sadd.s32 s2, s17  }
0x8e: {  	[smem:$0x3FBF] =	sst s2  }
0x8f: {  	_ = 	snop  }
0x90: {  	s2 =	sld [smem:$0x3FD0];
	(tm) =	ssettm $0x1  }
0x91: {  	s18 =	sld [smem:$0x3FFB];
	_ =	sdelay $0x3  }
0x92: {  	_ =	strace s18  }
0x93: {  	s3 =	sld [smem:$0x3FFC];
	_ =	sdelay $0x3  }
0x94: {  	_ =	strace s3  }
0x95: {  	s3 =	sld [smem:$0x3FFD];
	_ =	sdelay $0x3  }
0x96: {  	_ =	strace s3  }
0x97: {  	_ =	strace $0x8FFFFFFF  }
0x98: {  	s19 =	sld [smem:$0x3FDB];
	_ =	sdelay $0x1  }
0x99: {  	s4 =	simm.s32 $_scs_section_size  }
0x9a: {  	s5 =	simm.s32 $_size__tile_overlayer_lowered;
	s6 =	simm.s32 $_tile_overlayer_lowered  }
0x9b: {  	s22 =	simm.s32 $0x1BFF;
	s21 =	sshll.u32 s6, $0x1;
	s3 =	sadd.s32 s4, s19  }
0x9c: {  	s7 =	simm.s32 $0x0;
	s20 =	sshll.u32 s5, $0x1;
	s5 =	sadd.s32 s21, s3  }
0x9d: {  	[timem:s7], [sflag:s22] =	dma.local [hbm:s5], s20  }
0x9e: {  	_ =	swait.ge [sflag:s22], s20  }
0x9f: {  	s4 =	ssub.s32 $0x0, s20;
	[sflag:s22] =	ssyncset.done $0x0  }
0xa0: {  	[sflag:s22] =	ssyncadd.s32 s4;
	_ =	sdelay $0x1  }
0xa1: {  	s23 =	simm.s32 $0x1B8B  }
0xa2: {  	_ =	swait.ge [sflag:s23], $0x1  }
0xa3: {  	[sflag:s23] =	ssyncset.done $0x0  }
0xa4: {  	s25 =	simm.s32 $0x1B8E;
	s24 =	sld [smem:$0x3FFE];
	[sflag:s23] =	ssyncadd.s32 $0xFFFFFFFF  }
0xa5: {  	s26 =	simm.s32 $execute0_lowered;
	[smem:$0x3FD2] =	sst s25  }
0xa6: {  	s5 =	sshll.u32 s26, $0x1;
	_ =	strace $0x80000046;
	[dreg:$0x1] =	wrdreg $0xFFFFFFFF  }
0xa7: {  	s28 =	simm.s32 $_size_execute0_lowered;
	s3 =	sadd.s32 s3, s5;
	[dreg:$0x0] =	wrdreg $0x0  }
0xa8: {  	s5 =	sshll.u32 s28, $0x1;
	[dreg:$0x2] =	wrdreg s3  }
0xa9: {  	[dreg:$0x3] =	wrdreg s5  }
0xaa: {  	[dreg:$0x4] =	wrdreg $0xC0  }
0xab: {  	_ =	task [dreg:s7], $0x5FFFF  }
0xac: {  	[dreg:$0x1] =	wrdreg $0xFFFFFFFF  }
0xad: {  	[dreg:$0x0] =	wrdreg $0x60  }
0xae: {  	[dreg:$0x2] =	wrdreg s24  }
0xaf: {  	[dreg:$0x3] =	wrdreg s2  }
0xb0: {  	[dreg:$0x4] =	wrdreg $0x120000  }
0xb1: {  	[dreg:$0x5] =	wrdreg $0x9  }
0xb2: {  	_ =	task.clear_ibuf [dreg:s7], $0x6FFFF;
	_ =	strace $0x90000046  }
0xb3: {  	s29 =	simm.s32 $0x9;
	_ =	strace $0x80000048  }
0xb4: {  	_ =	swait.ge [sflag:s29], $0x1  }
0xb5: {  	[sflag:s29] =	ssyncadd.s32 $0xFFFFFFFF  }
0xb6: {  	_ =	strace $0x90000048  }
0xb7: {  	_ =	sfence  }
0xb8: {  	s30 =	sld [smem:$0x0];
	_ =	sdelay $0x2  }
0xb9: {  	s31 =	sshll.u32 s1, $0xD;
	s1 =	sshrl.u32 s1, $0x2  }
0xba: {  	s3 =	sand.u32 $0x4000, s31;
	s1 =	sadd.s32 s1, s30  }
0xbb: {  	s0 =	sor.u32 s3, s0;
	s1 =	sshll.u32 s1, $0x11  }
0xbc: {  	s0 =	sor.u32 s1, s0  }
0xbd: {  	s0 =	sadd.s32 $0x8F2B, s0  }
0xbe: {  	[sflag:s0] =	ssyncadd.remote.s32 $0x1  }
0xbf: {  	_ =	sfence.sel $0xFFFF  }
0xc0: {  	[dreg:$0x0] =	wrdreg $0xFFFFFFFF;
	(pc) =	sbr.abs _section_cstart, $3  }
0xc1: {  	[dreg:$0x1] =	wrdreg $0xFFFFFFFF  }
0xc2: {  	_ =	task.clear_ibuf [dreg:s7], $0x2FFFF;
	_ =	strace $0x9FFFFFFF  }
0xc3: {  	(tm) =	ssettm $0x7FFFFFFF  }
tec
execute0_lowered:
.L_overlay_start_1:
0x0: {  	(tag) =	ssettag $0x1  }
0x1: {  	s6 =	rddreg [dreg:$0x0]  }
0x2: {  	s0 =	srdreg.scid;
	s2 =	rddreg [dreg:$0x1]  }
0x3: {  	s3 =	rddreg [dreg:$0x2];
	s1 =	stileid.u32  }
0x4: {  	s4 =	simm.s32 $0x0;
	s15 =	simm.s32 $0x3;
	s16 =	simm.s32 $0x80  }
0x5: {  	s17 =	simm.s32 $0xC000;
	s18 =	simm.s32 $0xE000;
	s19 =	simm.s32 $0x10000  }
0x6: {  	s20 =	simm.s32 $0x1;
	s21 =	simm.s32 $0x2;
	s24 =	simm.s32 $0x10  }
0x7: {  	s25 =	simm.s32 $0x8;
	s7 =	sand.u32 $0x1, s0;
	s0 =	rddreg [dreg:$0x3]  }
0x8: {  	s26 =	simm.s32 $0x0;
	[smem:$0x7FF] =	sst s4;
	s9 =	smul.u32 $0x14000, s1  }
0x9: {  	s11 =	smul.u32 $0x28000, s1;
	s22 =	sshll.u32 s1, $0x6;
	s5 =	sshll.u32 s7, $0x4  }
0xa: {  	_ =	strace $0x80000047;
	s10 =	sshll.u32 s7, $0x6;
	s5 =	sor.u32 s1, s5  }
0xb: {  	s7 =	ssub.s32 $0x2, s7;
	s22 =	sor.u32 $0x1C03, s22;
	s8 =	smul.u32 $0x1400, s5  }
0xc: {  	s29 =	sor.u32 s10, s9;
	s30 =	sshrl.u32 s7, $0x1;
	s31 =	sshrl.u32 s11, $0x2  }
0xd: {  	s5 =	sadd.s32 $0x2A400, s6;
	s12 =	sadd.s32 s8, s6;
	s8 =	sshrl.u32 s29, $0x3  }
0xe: {  	s14 =	ssub.s32 s7, s30;
	s13 =	sadd.s32 s8, s6;
	s6 =	sadd.s32 s31, s3  }
0xf: {  	s11 =	sadd.s32 $0x2400, s12;
	s7 =	sadd.s32 $0x2000, s6;
	s8 =	sadd.s32 $0x4000, s6  }
0x10: {  	s9 =	sadd.s32 $0x6000, s6;
	s10 =	sadd.s32 $0x8000, s6;
	s12 =	sadd.s32 $0x52400, s13  }
0x11: {  	s13 =	smax.u32 s14, $0x1;
	s14 =	simm.s32 $0xA000;
	s23 =	sshrl.u32 s6, $0x3  }
.LBB2_1:
0x12: {  	[tilespmem:s14], [sflag:$0x3] =	stream.linear.gather [hbm4b:s2+s4], $0x2000, $0x38;
	[tilespmem:$0x1C000] =	vst v63  }
0x13: {  	_ =	swait.ge [sflag:s15], $0x2000  }
0x14: {  	[sflag:s15] =	ssyncset.done $0x0  }
0x15: {  	[sflag:s15] =	ssyncadd.s32 $0xFFFFE000  }
0x16: {  	[spmem:s6] =	stream.linear.scatter [tilespmem:s14], [sflag:$0x3], $0x2000, $0x38;
	[tilespmem:$0x1C000] =	vst v63  }
0x17: {  	_ =	swait.ge [sflag:s15], $0x2000  }
0x18: {  	[sflag:s15] =	ssyncset.done $0x0  }
0x19: {  	[sflag:s15] =	ssyncadd.s32 $0xFFFFE000  }
0x1a: {  	[spmem:s7] =	stream.linear.scatter [tilespmem:s14], [sflag:$0x3], $0x2000, $0x38;
	[tilespmem:$0x1C000] =	vst v63  }
0x1b: {  	_ =	swait.ge [sflag:s15], $0x2000  }
0x1c: {  	[sflag:s15] =	ssyncset.done $0x0  }
0x1d: {  	[sflag:s15] =	ssyncadd.s32 $0xFFFFE000  }
0x1e: {  	[spmem:s8] =	stream.linear.scatter [tilespmem:s14], [sflag:$0x3], $0x2000, $0x38;
	[tilespmem:$0x1C000] =	vst v63  }
0x1f: {  	_ =	swait.ge [sflag:s15], $0x2000  }
0x20: {  	[sflag:s15] =	ssyncset.done $0x0  }
0x21: {  	[sflag:s15] =	ssyncadd.s32 $0xFFFFE000  }
0x22: {  	[spmem:s9] =	stream.linear.scatter [tilespmem:s14], [sflag:$0x3], $0x2000, $0x38;
	[tilespmem:$0x1C000] =	vst v63  }
0x23: {  	_ =	swait.ge [sflag:s15], $0x2000  }
0x24: {  	[sflag:s15] =	ssyncset.done $0x0  }
0x25: {  	[sflag:s15] =	ssyncadd.s32 $0xFFFFE000  }
0x26: {  	[spmem:s10] =	stream.linear.scatter [tilespmem:s14], [sflag:$0x3], $0x2000, $0x38;
	[tilespmem:$0x1C000] =	vst v63  }
0x27: {  	_ =	swait.ge [sflag:s15], $0x2000  }
0x28: {  	[sflag:s15] =	ssyncset.done $0x0  }
0x29: {  	[sflag:s15] =	ssyncadd.s32 $0xFFFFE000  }
0x2a: {  	[tilespmem:s4], [sflag:$0x3] =	stream.linear.gather [hbm4b:s11+s4], $0xA000, $0x38;
	[tilespmem:$0x1C000] =	vst v63  }
0x2b: {  	_ =	swait.ge [sflag:s15], $0xA000  }
0x2c: {  	[sflag:s15] =	ssyncset.done $0x0  }
0x2d: {  	[sflag:s15] =	ssyncadd.s32 $0xFFFF6000  }
0x2e: {  	s28 =	simm.s32 $0x0;
	[bflag:$0x0] =	sbarrier.arrive $0xFFFF  }
0x2f: {  	[tilespmem:s14], [sflag:$0x1] =	stream.indirect.gather [hbm4b:s5+s16], $0x40, s28, s16, $0xb8;
	[tilespmem:$0x1C000] =	vst v63  }
0x30: {  	s28 =	simm.s32 $0x80  }
0x31: {  	[tilespmem:s17], [sflag:$0x1] =	stream.indirect.gather [hbm4b:s5+s16], $0x40, s28, s16, $0xb8;
	[tilespmem:$0x1C000] =	vst v63  }
0x32: {  	s28 =	simm.s32 $0x100  }
0x33: {  	[tilespmem:s18], [sflag:$0x1] =	stream.indirect.gather [hbm4b:s5+s16], $0x40, s28, s16, $0xb8;
	[tilespmem:$0x1C000] =	vst v63  }
0x34: {  	s28 =	simm.s32 $0x180  }
0x35: {  	[tilespmem:s19], [sflag:$0x1] =	stream.indirect.gather [hbm4b:s5+s16], $0x40, s28, s16, $0xb8;
	[tilespmem:$0x1C000] =	vst v63  }
0x36: {  	_ =	swait.ge [sflag:s20], $0x2000  }
0x37: {  	[sflag:s20] =	ssyncset.done $0x0  }
0x38: {  	[sflag:s20] =	ssyncadd.s32 $0xFFFFE000  }
0x39: {  	_ =	swait.ge [sflag:s20], $0x2000  }
0x3a: {  	[sflag:s20] =	ssyncset.done $0x0  }
0x3b: {  	[sflag:s20] =	ssyncadd.s32 $0xFFFFE000  }
0x3c: {  	_ =	swait.ge [sflag:s20], $0x2000  }
0x3d: {  	[sflag:s20] =	ssyncset.done $0x0  }
0x3e: {  	[sflag:s20] =	ssyncadd.s32 $0xFFFFE000  }
0x3f: {  	_ =	swait.ge [sflag:s20], $0x2000  }
0x40: {  	[sflag:s20] =	ssyncset.done $0x0  }
0x41: {  	s28 =	simm.s32 $0x5000;
	[sflag:s20] =	ssyncadd.s32 $0xFFFFE000  }
0x42: {  	[spmem:s3] =	stream.indirect.scatter.add.f32 [tilespmem:s14], [sflag:$0x2], $0x40, s28, s16, $0xb8;
	[tilespmem:$0x1C000] =	vst v63  }
0x43: {  	s28 =	simm.s32 $0x5080  }
0x44: {  	[spmem:s3] =	stream.indirect.scatter.add.f32 [tilespmem:s17], [sflag:$0x2], $0x40, s28, s16, $0xb8;
	[tilespmem:$0x1C000] =	vst v63  }
0x45: {  	s28 =	simm.s32 $0x5100  }
0x46: {  	[spmem:s3] =	stream.indirect.scatter.add.f32 [tilespmem:s18], [sflag:$0x2], $0x40, s28, s16, $0xb8;
	[tilespmem:$0x1C000] =	vst v63  }
0x47: {  	s28 =	simm.s32 $0x5180  }
0x48: {  	[spmem:s3] =	stream.indirect.scatter.add.f32 [tilespmem:s19], [sflag:$0x2], $0x40, s28, s16, $0xb8;
	[tilespmem:$0x1C000] =	vst v63  }
0x49: {  	_ =	swait.ge [sflag:s21], $0x2000  }
0x4a: {  	[sflag:s21] =	ssyncset.done $0x0  }
0x4b: {  	[sflag:s21] =	ssyncadd.s32 $0xFFFFE000  }
0x4c: {  	_ =	swait.ge [sflag:s21], $0x2000  }
0x4d: {  	[sflag:s21] =	ssyncset.done $0x0  }
0x4e: {  	[sflag:s21] =	ssyncadd.s32 $0xFFFFE000  }
0x4f: {  	_ =	swait.ge [sflag:s21], $0x2000  }
0x50: {  	[sflag:s21] =	ssyncset.done $0x0  }
0x51: {  	[sflag:s21] =	ssyncadd.s32 $0xFFFFE000  }
0x52: {  	_ =	swait.ge [sflag:s21], $0x2000  }
0x53: {  	s30 =	simm.s32 $0x1000;
	s28 =	simm.s32 $0x800;
	[sflag:s21] =	ssyncset.done $0x0  }
.LBB2_2:
0x54: {  	s31 =	sshra.s32 s28, $0x2  }
0x55: {  	[sflag:s21] =	ssyncadd.s32 $0xFFFFE000;
	s28 =	smov.u32 s30;
	s29 =	sadd.s32 $0x800, s30  }
0x56: {  	[tilespmem:s14], [sflag:$0x1] =	stream.indirect.gather [hbm4b:s5+s16], $0x40, s31, s16, $0xb8;
	[tilespmem:$0x1C000] =	vst v63  }
0x57: {  	p0 =	sne.s32 s30, $0x13800;
	s30 =	sadd.s32 $0x80, s31  }
0x58: {  	[tilespmem:s17], [sflag:$0x1] =	stream.indirect.gather [hbm4b:s5+s16], $0x40, s30, s16, $0xb8;
	[tilespmem:$0x1C000] =	vst v63  }
0x59: {  	s30 =	sadd.s32 $0x100, s31  }
0x5a: {  	[tilespmem:s18], [sflag:$0x1] =	stream.indirect.gather [hbm4b:s5+s16], $0x40, s30, s16, $0xb8;
	[tilespmem:$0x1C000] =	vst v63  }
0x5b: {  	s30 =	sadd.s32 $0x180, s31  }
0x5c: {  	[tilespmem:s19], [sflag:$0x1] =	stream.indirect.gather [hbm4b:s5+s16], $0x40, s30, s16, $0xb8;
	[tilespmem:$0x1C000] =	vst v63  }
0x5d: {  	_ =	swait.ge [sflag:s20], $0x2000  }
0x5e: {  	[sflag:s20] =	ssyncset.done $0x0  }
0x5f: {  	[sflag:s20] =	ssyncadd.s32 $0xFFFFE000  }
0x60: {  	_ =	swait.ge [sflag:s20], $0x2000  }
0x61: {  	[sflag:s20] =	ssyncset.done $0x0  }
0x62: {  	[sflag:s20] =	ssyncadd.s32 $0xFFFFE000  }
0x63: {  	_ =	swait.ge [sflag:s20], $0x2000  }
0x64: {  	[sflag:s20] =	ssyncset.done $0x0  }
0x65: {  	[sflag:s20] =	ssyncadd.s32 $0xFFFFE000  }
0x66: {  	_ =	swait.ge [sflag:s20], $0x2000  }
0x67: {  	[sflag:s20] =	ssyncset.done $0x0  }
0x68: {  	s30 =	sadd.s32 $0x5000, s31;
	[sflag:s20] =	ssyncadd.s32 $0xFFFFE000  }
0x69: {  	[spmem:s3] =	stream.indirect.scatter.add.f32 [tilespmem:s14], [sflag:$0x2], $0x40, s30, s16, $0xb8;
	[tilespmem:$0x1C000] =	vst v63  }
0x6a: {  	s30 =	sadd.s32 $0x5080, s31  }
0x6b: {  	[spmem:s3] =	stream.indirect.scatter.add.f32 [tilespmem:s17], [sflag:$0x2], $0x40, s30, s16, $0xb8;
	[tilespmem:$0x1C000] =	vst v63  }
0x6c: {  	s30 =	sadd.s32 $0x5100, s31  }
0x6d: {  	[spmem:s3] =	stream.indirect.scatter.add.f32 [tilespmem:s18], [sflag:$0x2], $0x40, s30, s16, $0xb8;
	[tilespmem:$0x1C000] =	vst v63  }
0x6e: {  	s30 =	sadd.s32 $0x5180, s31  }
0x6f: {  	[spmem:s3] =	stream.indirect.scatter.add.f32 [tilespmem:s19], [sflag:$0x2], $0x40, s30, s16, $0xb8;
	[tilespmem:$0x1C000] =	vst v63  }
0x70: {  	_ =	swait.ge [sflag:s21], $0x2000  }
0x71: {  	[sflag:s21] =	ssyncset.done $0x0  }
0x72: {  	[sflag:s21] =	ssyncadd.s32 $0xFFFFE000  }
0x73: {  	_ =	swait.ge [sflag:s21], $0x2000  }
0x74: {  	[sflag:s21] =	ssyncset.done $0x0  }
0x75: {  	[sflag:s21] =	ssyncadd.s32 $0xFFFFE000  }
.Ltmp0:
0x76: {  	_ =	swait.ge [sflag:s21], $0x2000;
	(pc) =	sbr.rel @p0 .LBB2_2-.Ltmp0, $4  }
0x77: {  	[sflag:s21] =	ssyncset.done $0x0  }
0x78: {  	[sflag:s21] =	ssyncadd.s32 $0xFFFFE000  }
0x79: {  	_ =	swait.ge [sflag:s21], $0x2000  }
0x7a: {  	s30 =	smov.u32 s29;
	[sflag:s21] =	ssyncset.done $0x0  }
0x7b: {  	s28 =	sshra.s32 s28, $0x2;
	[sflag:s21] =	ssyncadd.s32 $0xFFFFE000  }
0x7c: {  	[tilespmem:s14], [sflag:$0x1] =	stream.indirect.gather [hbm4b:s5+s16], $0x40, s28, s16, $0xb8;
	[tilespmem:$0x1C000] =	vst v63  }
0x7d: {  	s29 =	sadd.s32 $0x80, s28  }
0x7e: {  	[tilespmem:s17], [sflag:$0x1] =	stream.indirect.gather [hbm4b:s5+s16], $0x40, s29, s16, $0xb8;
	[tilespmem:$0x1C000] =	vst v63  }
0x7f: {  	s31 =	sadd.s32 $0x100, s28  }
0x80: {  	[tilespmem:s18], [sflag:$0x1] =	stream.indirect.gather [hbm4b:s5+s16], $0x40, s31, s16, $0xb8;
	[tilespmem:$0x1C000] =	vst v63  }
0x81: {  	s30 =	sadd.s32 $0x180, s28  }
0x82: {  	[tilespmem:s19], [sflag:$0x1] =	stream.indirect.gather [hbm4b:s5+s16], $0x40, s30, s16, $0xb8;
	[tilespmem:$0x1C000] =	vst v63  }
0x83: {  	_ =	swait.ge [sflag:s20], $0x2000  }
0x84: {  	[sflag:s20] =	ssyncset.done $0x0  }
0x85: {  	[sflag:s20] =	ssyncadd.s32 $0xFFFFE000  }
0x86: {  	_ =	swait.ge [sflag:s20], $0x2000  }
0x87: {  	[sflag:s20] =	ssyncset.done $0x0  }
0x88: {  	[sflag:s20] =	ssyncadd.s32 $0xFFFFE000  }
0x89: {  	_ =	swait.ge [sflag:s20], $0x2000  }
0x8a: {  	[sflag:s20] =	ssyncset.done $0x0  }
0x8b: {  	[sflag:s20] =	ssyncadd.s32 $0xFFFFE000  }
0x8c: {  	_ =	swait.ge [sflag:s20], $0x2000  }
0x8d: {  	[sflag:s20] =	ssyncset.done $0x0  }
0x8e: {  	s31 =	sadd.s32 $0x5000, s28;
	[sflag:s20] =	ssyncadd.s32 $0xFFFFE000  }
0x8f: {  	[spmem:s3] =	stream.indirect.scatter.add.f32 [tilespmem:s14], [sflag:$0x2], $0x40, s31, s16, $0xb8;
	[tilespmem:$0x1C000] =	vst v63  }
0x90: {  	s30 =	sadd.s32 $0x5080, s28  }
0x91: {  	[spmem:s3] =	stream.indirect.scatter.add.f32 [tilespmem:s17], [sflag:$0x2], $0x40, s30, s16, $0xb8;
	[tilespmem:$0x1C000] =	vst v63  }
0x92: {  	s31 =	sadd.s32 $0x5100, s28  }
0x93: {  	[spmem:s3] =	stream.indirect.scatter.add.f32 [tilespmem:s18], [sflag:$0x2], $0x40, s31, s16, $0xb8;
	[tilespmem:$0x1C000] =	vst v63  }
0x94: {  	s28 =	sadd.s32 $0x5180, s28  }
0x95: {  	[spmem:s3] =	stream.indirect.scatter.add.f32 [tilespmem:s19], [sflag:$0x2], $0x40, s28, s16, $0xb8;
	[tilespmem:$0x1C000] =	vst v63  }
0x96: {  	_ =	swait.ge [sflag:s21], $0x2000  }
0x97: {  	[sflag:s21] =	ssyncset.done $0x0  }
0x98: {  	[sflag:s21] =	ssyncadd.s32 $0xFFFFE000  }
0x99: {  	_ =	swait.ge [sflag:s21], $0x2000  }
0x9a: {  	[sflag:s21] =	ssyncset.done $0x0  }
0x9b: {  	[sflag:s21] =	ssyncadd.s32 $0xFFFFE000  }
0x9c: {  	_ =	swait.ge [sflag:s21], $0x2000  }
0x9d: {  	[sflag:s21] =	ssyncset.done $0x0  }
0x9e: {  	[sflag:s21] =	ssyncadd.s32 $0xFFFFE000  }
0x9f: {  	_ =	swait.ge [sflag:s21], $0x2000  }
0xa0: {  	s26 =	sadd.s32 $0x1, s26;
	[sflag:s21] =	ssyncset.done $0x0  }
0xa1: {  	p0 =	sne.s32 s26, s13;
	[sflag:s21] =	ssyncadd.s32 $0xFFFFE000  }
.Ltmp1:
0xa2: {  	[bflag:$0x0] =	sbarrier.arrive $0xFFFF;
	(pc) =	sbr.rel @p0 .LBB2_1-.Ltmp1, $4  }
0xa3: {  	[hbm:s12@s24], [sflag:s22] =	dma.strided [spmem:s23@s25], $0x1400, s20, $0x8   }
0xa4: {  	_ =	swait.ge [sflag:s15], $0x1400  }
0xa5: {  	[sflag:s15] =	ssyncset.done $0x0  }
0xa6: {  	[sflag:s15] =	ssyncadd.s32 $0xFFFFEC00  }
0xa7: {  	_ =	sfence.sel $0x180000  }
0xa8: {  	[bflag:$0x0] =	sbarrier.arrive $0xFFFF  }
0xa9: {  	p0 =	sne.s32 s1, $0x0;
	_ =	strace $0x90000047  }
0xaa: {  	s0 =	sadd.s32 @!p0 $0x100000, s0;
	[bflag:$0x2] =	sbarrier.arrive $0xFFFF  }
0xab: {  	[sflag:s0] =	ssyncadd.tile.s32 @!p0 $0x1;
	_ =	shalt  }
.Lfunc_end2:
_tile_overlayer_lowered:
.L_overlay_start_2:
0xac: {  	(tag) =	ssettag $0x2  }
0xad: {  	s0 =	rddreg [dreg:$0x0];
	s2 =	stileid.u32  }
0xae: {  	s1 =	rddreg [dreg:$0x1];
	p0 =	sne.s32 s2, $0x0  }
0xaf: {  	s3 =	rddreg [dreg:$0x2];
	[bflag:$0x3] =	sbarrier.arrive $0xFFFF;
	s2 =	simm.s32 @!p0 $0x1C03  }
0xb0: {  	[timem:s3], [sflag:s2] =	dma.local @!p0 [hbm:s0], s1  }
0xb1: {  	s0 =	simm.s32 @!p0 $0x3  }
0xb2: {  	_ =	swait.ge @!p0 [sflag:s0], s1  }
0xb3: {  	s1 =	ssub.s32 @!p0 $0x0, s1;
	[sflag:s0] =	ssyncset.done @!p0 $0x0  }
0xb4: {  	[sflag:s0] =	ssyncadd.s32 @!p0 s1  }
0xb5: {  	[bflag:$0x3] =	sbarrier.arrive $0xFFFF  }
0xb6: {  	_ =	shalt  }

</sc_bundles>
